<compile_context>
chip_gen: v7x
topology: tpu7x:2x2x1
jax: 0.10.2.dev20260603
libtpu: 0.0.44.dev20260713+nightly
codegen_flags: <defaults>
</compile_context>

<pallas_src>
import jax
import jax.numpy as jnp
from jax import lax
from jax.experimental import pallas as pl
from jax.experimental.pallas import tpu as pltpu
from jax.experimental.pallas import tpu_sc as plsc

_B, _C, _T = 16, 512, 4096
_G = 64
_CH = 64
_NS = 16
_NC = 2
_TH = _T // _NC
_NIT = _TH // _CH
_BS = _T // 4


def _sc_body(sig_ref, gidx_ref, out_ref,
             inbuf, outbuf, zbuf, ones, cntv, invv,
             idx0, idx1, idx2, idx3, acc, cnt_sh):
    cid = lax.axis_index("c")
    sid = lax.axis_index("s")
    b = sid
    base = sid * _G
    idxs = (idx0, idx1, idx2, idx3)

    for j, idx in enumerate(idxs):
        pltpu.sync_copy(gidx_ref.at[pl.ds(j * 128, 128)], idx)
    offv = jnp.full((16,), base, dtype=jnp.int32)
    for idx in idxs:
        for k in range(8):
            sl = pl.ds(k * 16, 16)
            idx[sl] = idx[sl] + offv

    zv = jnp.zeros((16,), jnp.float32)
    ov = jnp.ones((16,), jnp.float32)

    def _zrow(g, carry):
        for j in range(_CH // 16):
            zbuf[g, pl.ds(j * 16, 16)] = zv
        return carry

    lax.fori_loop(0, _G, _zrow, 0)

    def _orow(r, carry):
        ones[r, :] = ov
        return carry

    lax.fori_loop(0, 128, _orow, 0)

    pltpu.sync_copy(zbuf.at[:, pl.ds(0, 16)], cnt_sh.at[pl.ds(base, _G)])
    for idx in idxs:
        pltpu.sync_copy(ones, cnt_sh.at[idx], add=True)
    pltpu.sync_copy(cnt_sh.at[pl.ds(base, _G)], cntv)

    def _irow(g, carry):
        c = cntv[g, :]
        invv[g, :] = ov / jnp.maximum(c, ov)
        return carry

    lax.fori_loop(0, _G, _irow, 0)

    tbase = cid * _TH

    def _step(i, carry):
        t0 = tbase + i * _CH
        pltpu.sync_copy(sig_ref.at[pl.ds(b * _C, _C), pl.ds(t0, _CH)], inbuf)
        pltpu.sync_copy(zbuf, acc.at[pl.ds(base, _G)])
        for j, idx in enumerate(idxs):
            pltpu.sync_copy(inbuf.at[pl.ds(j * 128, 128)], acc.at[idx],
                            add=True)
        pltpu.sync_copy(acc.at[pl.ds(base, _G)], outbuf)

        def _srow(g, c2):
            iv = invv[g, :]
            for j in range(_CH // 16):
                sl = pl.ds(j * 16, 16)
                outbuf[g, sl] = outbuf[g, sl] * iv
            return c2

        lax.fori_loop(0, _G, _srow, 0)

        blk = t0 // _BS
        tin = t0 - blk * _BS
        orow = b * (4 * _G) + blk * _G
        pltpu.sync_copy(outbuf, out_ref.at[pl.ds(orow, _G), pl.ds(tin, _CH)])
        return carry

    lax.fori_loop(0, _NIT, _step, 0)


def kernel(signals, group_indices):
    Bv, Cv, Tv = signals.shape
    gi = group_indices.astype(jnp.int32)
    sig2d = signals.reshape(Bv * Cv, Tv)
    mesh = plsc.VectorSubcoreMesh(core_axis_name="c", subcore_axis_name="s")
    out2d = pl.kernel(
        _sc_body,
        out_type=jax.ShapeDtypeStruct((_B * 4 * _G, _BS), jnp.float32),
        mesh=mesh,
        compiler_params=pltpu.CompilerParams(use_tc_tiling_on_sc=False),
        scratch_types=[
            pltpu.VMEM((_C, _CH), jnp.float32),
            pltpu.VMEM((_G, _CH), jnp.float32),
            pltpu.VMEM((_G, _CH), jnp.float32),
            pltpu.VMEM((128, 16), jnp.float32),
            pltpu.VMEM((_G, 16), jnp.float32),
            pltpu.VMEM((_G, 16), jnp.float32),
            pltpu.VMEM((128,), jnp.int32),
            pltpu.VMEM((128,), jnp.int32),
            pltpu.VMEM((128,), jnp.int32),
            pltpu.VMEM((128,), jnp.int32),
            pltpu.VMEM_SHARED((_NS * _G, _CH), jnp.float32),
            pltpu.VMEM_SHARED((_NS * _G, 16), jnp.float32),
        ],
    )(sig2d, gi)
    return out2d.reshape(_B, 4 * _G, _BS)

# --- scband reference (transcript-rebuilt; emitter-appended) ---
"""Pipeline reference for scband-spatio-temporal-patch-51548197487142 (READ-ONLY COPY).

The authoritative reference and input builder live on the scoring server;
editing this copy changes nothing except your own understanding.
"""

import jax, jax.numpy as jnp
import numpy as np

G = 64  # number of spatial groups (segments)

def setup_inputs(seed: int = 0) -> dict:
    key = jax.random.key(seed)
    k1, k2 = jax.random.split(key)
    signals = jax.random.normal(k1, (16, 512, 4096), dtype=jnp.float32)
    group_indices = jnp.sort(jax.random.randint(k2, (512,), 0, G, dtype=jnp.int64))
    return {"signals": signals, "group_indices": group_indices}

def _segment_mean_pool(signals, group_indices):
    # signals: [B, C, T]; group_indices: [C] -> pooled [B, G, T]
    sig = jnp.transpose(signals, (1, 0, 2))  # [C, B, T]
    sums = jax.ops.segment_sum(sig, group_indices, num_segments=G)  # [G, B, T]
    counts = jnp.bincount(group_indices, length=G).astype(signals.dtype)
    counts = jnp.maximum(counts, 1.0)
    pooled = sums / counts[:, None, None]
    return jnp.transpose(pooled, (1, 0, 2))  # [B, G, T]

def reference(signals, group_indices):
    B, C, T = signals.shape
    pooled = _segment_mean_pool(signals, group_indices)  # [B, G, T]
    block_size = T // 4
    time_blocks = []
    for i in range(4):
        start = i * block_size
        end = (i + 1) * block_size if i < 3 else T
        time_blocks.append(pooled[..., start:end])
    return jnp.concatenate(time_blocks, axis=1)  # [B, 4*G, T//4]

if __name__ == "__main__":
    import jax
    _d = setup_inputs()
    print(jax.jit(kernel)(*tuple(_d.values())))

</pallas_src>

<mosaic_0001>
#map = affine_map<(d0, d1) -> (0, 0)>
#map1 = affine_map<(d0, d1) -> (0)>
module attributes {stable_mosaic.version = 14 : i64} {
  func.func @_sc_body(%arg0: i32, %arg1: i32, %arg2: memref<8192x4096xf32, #tpu.memory_space<hbm>>, %arg3: memref<512xi32, #tpu.memory_space<hbm>>, %arg4: memref<4096x1024xf32, #tpu.memory_space<hbm>>, %arg5: memref<512x64xf32, #tpu.memory_space<vmem>>, %arg6: memref<64x64xf32, #tpu.memory_space<vmem>>, %arg7: memref<64x64xf32, #tpu.memory_space<vmem>>, %arg8: memref<128x16xf32, #tpu.memory_space<vmem>>, %arg9: memref<64x16xf32, #tpu.memory_space<vmem>>, %arg10: memref<64x16xf32, #tpu.memory_space<vmem>>, %arg11: memref<128xi32, #tpu.memory_space<vmem>>, %arg12: memref<128xi32, #tpu.memory_space<vmem>>, %arg13: memref<128xi32, #tpu.memory_space<vmem>>, %arg14: memref<128xi32, #tpu.memory_space<vmem>>, %arg15: memref<1024x64xf32, #tpu.memory_space<vmem_shared>>, %arg16: memref<1024x16xf32, #tpu.memory_space<vmem_shared>>) attributes {dimension_semantics = [#tpu.dimension_semantics<core_parallel>, #tpu.dimension_semantics<subcore_parallel>], iteration_bounds = array<i64: 2, 16>, scalar_prefetch = 0 : i64, scratch_operands = 12 : i64, tpu.core_type = #tpu.core_type<sc_vector_subcore>, window_params = [{transform_indices = #map}, {transform_indices = #map1}, {transform_indices = #map}]} {
    %mul3A = arith.constant 64 : i32
    %mul3A_0 = arith.muli %arg1, %mul3A : i32
    "tpu.region"() ({
      %run_scoped3A = tpu.sem_alloc : memref<!tpu.dma_semaphore, #tpu.memory_space<semaphore_mem>>
      %dma_start3A = arith.constant 0 : i32
      %dma_start3A_283 = tpu.memref_slice %arg3[%dma_start3A] : memref<512xi32, #tpu.memory_space<hbm>> -> memref<128xi32, #tpu.memory_space<hbm>>
      %dma_start3A_284 = arith.constant 0 : i32
      %dma_start3A_285 = tpu.memref_slice %arg3[%dma_start3A_284] : memref<512xi32, #tpu.memory_space<hbm>> -> memref<128xi32, #tpu.memory_space<hbm>>
      tpu.enqueue_dma source(%dma_start3A_285 : memref<128xi32, #tpu.memory_space<hbm>>) target(%arg11 : memref<128xi32, #tpu.memory_space<vmem>>) target_semaphore(%run_scoped3A : memref<!tpu.dma_semaphore, #tpu.memory_space<semaphore_mem>>)
      %dma_wait3A = arith.constant 0 : i32
      %dma_wait3A_286 = tpu.memref_slice %arg3[%dma_wait3A] : memref<512xi32, #tpu.memory_space<hbm>> -> memref<128xi32, #tpu.memory_space<hbm>>
      %dma_wait3A_287 = arith.constant 0 : i32
      %dma_wait3A_288 = tpu.memref_slice %arg3[%dma_wait3A_287] : memref<512xi32, #tpu.memory_space<hbm>> -> memref<128xi32, #tpu.memory_space<hbm>>
      tpu.wait_dma2 semaphore(%run_scoped3A : memref<!tpu.dma_semaphore, #tpu.memory_space<semaphore_mem>>) src(%dma_wait3A_288 : memref<128xi32, #tpu.memory_space<hbm>>) dst(%arg11 : memref<128xi32, #tpu.memory_space<vmem>>)
      tpu.yield
    }) : () -> ()
    "tpu.region"() ({
      %run_scoped3A = tpu.sem_alloc : memref<!tpu.dma_semaphore, #tpu.memory_space<semaphore_mem>>
      %dma_start3A = arith.constant 128 : i32
      %dma_start3A_283 = tpu.memref_slice %arg3[%dma_start3A] : memref<512xi32, #tpu.memory_space<hbm>> -> memref<128xi32, #tpu.memory_space<hbm>>
      %dma_start3A_284 = arith.constant 128 : i32
      %dma_start3A_285 = tpu.memref_slice %arg3[%dma_start3A_284] : memref<512xi32, #tpu.memory_space<hbm>> -> memref<128xi32, #tpu.memory_space<hbm>>
      tpu.enqueue_dma source(%dma_start3A_285 : memref<128xi32, #tpu.memory_space<hbm>>) target(%arg12 : memref<128xi32, #tpu.memory_space<vmem>>) target_semaphore(%run_scoped3A : memref<!tpu.dma_semaphore, #tpu.memory_space<semaphore_mem>>)
      %dma_wait3A = arith.constant 128 : i32
      %dma_wait3A_286 = tpu.memref_slice %arg3[%dma_wait3A] : memref<512xi32, #tpu.memory_space<hbm>> -> memref<128xi32, #tpu.memory_space<hbm>>
      %dma_wait3A_287 = arith.constant 128 : i32
      %dma_wait3A_288 = tpu.memref_slice %arg3[%dma_wait3A_287] : memref<512xi32, #tpu.memory_space<hbm>> -> memref<128xi32, #tpu.memory_space<hbm>>
      tpu.wait_dma2 semaphore(%run_scoped3A : memref<!tpu.dma_semaphore, #tpu.memory_space<semaphore_mem>>) src(%dma_wait3A_288 : memref<128xi32, #tpu.memory_space<hbm>>) dst(%arg12 : memref<128xi32, #tpu.memory_space<vmem>>)
      tpu.yield
    }) : () -> ()
    "tpu.region"() ({
      %run_scoped3A = tpu.sem_alloc : memref<!tpu.dma_semaphore, #tpu.memory_space<semaphore_mem>>
      %dma_start3A = arith.constant 256 : i32
      %dma_start3A_283 = tpu.memref_slice %arg3[%dma_start3A] : memref<512xi32, #tpu.memory_space<hbm>> -> memref<128xi32, #tpu.memory_space<hbm>>
      %dma_start3A_284 = arith.constant 256 : i32
      %dma_start3A_285 = tpu.memref_slice %arg3[%dma_start3A_284] : memref<512xi32, #tpu.memory_space<hbm>> -> memref<128xi32, #tpu.memory_space<hbm>>
      tpu.enqueue_dma source(%dma_start3A_285 : memref<128xi32, #tpu.memory_space<hbm>>) target(%arg13 : memref<128xi32, #tpu.memory_space<vmem>>) target_semaphore(%run_scoped3A : memref<!tpu.dma_semaphore, #tpu.memory_space<semaphore_mem>>)
      %dma_wait3A = arith.constant 256 : i32
      %dma_wait3A_286 = tpu.memref_slice %arg3[%dma_wait3A] : memref<512xi32, #tpu.memory_space<hbm>> -> memref<128xi32, #tpu.memory_space<hbm>>
      %dma_wait3A_287 = arith.constant 256 : i32
      %dma_wait3A_288 = tpu.memref_slice %arg3[%dma_wait3A_287] : memref<512xi32, #tpu.memory_space<hbm>> -> memref<128xi32, #tpu.memory_space<hbm>>
      tpu.wait_dma2 semaphore(%run_scoped3A : memref<!tpu.dma_semaphore, #tpu.memory_space<semaphore_mem>>) src(%dma_wait3A_288 : memref<128xi32, #tpu.memory_space<hbm>>) dst(%arg13 : memref<128xi32, #tpu.memory_space<vmem>>)
      tpu.yield
    }) : () -> ()
    "tpu.region"() ({
      %run_scoped3A = tpu.sem_alloc : memref<!tpu.dma_semaphore, #tpu.memory_space<semaphore_mem>>
      %dma_start3A = arith.constant 384 : i32
      %dma_start3A_283 = tpu.memref_slice %arg3[%dma_start3A] : memref<512xi32, #tpu.memory_space<hbm>> -> memref<128xi32, #tpu.memory_space<hbm>>
      %dma_start3A_284 = arith.constant 384 : i32
      %dma_start3A_285 = tpu.memref_slice %arg3[%dma_start3A_284] : memref<512xi32, #tpu.memory_space<hbm>> -> memref<128xi32, #tpu.memory_space<hbm>>
      tpu.enqueue_dma source(%dma_start3A_285 : memref<128xi32, #tpu.memory_space<hbm>>) target(%arg14 : memref<128xi32, #tpu.memory_space<vmem>>) target_semaphore(%run_scoped3A : memref<!tpu.dma_semaphore, #tpu.memory_space<semaphore_mem>>)
      %dma_wait3A = arith.constant 384 : i32
      %dma_wait3A_286 = tpu.memref_slice %arg3[%dma_wait3A] : memref<512xi32, #tpu.memory_space<hbm>> -> memref<128xi32, #tpu.memory_space<hbm>>
      %dma_wait3A_287 = arith.constant 384 : i32
      %dma_wait3A_288 = tpu.memref_slice %arg3[%dma_wait3A_287] : memref<512xi32, #tpu.memory_space<hbm>> -> memref<128xi32, #tpu.memory_space<hbm>>
      tpu.wait_dma2 semaphore(%run_scoped3A : memref<!tpu.dma_semaphore, #tpu.memory_space<semaphore_mem>>) src(%dma_wait3A_288 : memref<128xi32, #tpu.memory_space<hbm>>) dst(%arg14 : memref<128xi32, #tpu.memory_space<vmem>>)
      tpu.yield
    }) : () -> ()
    %broadcast_in_dim3A = vector.broadcast %mul3A_0 : i32 to vector<16xi32>
    %get3A = arith.constant 0 : index
    %get3A_1 = tpu.vector_load %arg11[%get3A] {strides = array<i32>} : memref<128xi32, #tpu.memory_space<vmem>>, vector<16xi32>,
    %get3A_2 = vector.shape_cast %get3A_1 : vector<16xi32> to vector<16xi32>
    %add3A = arith.addi %get3A_2, %broadcast_in_dim3A : vector<16xi32>
    %swap3A = arith.constant 0 : index
    %swap3A_3 = tpu.vector_load %arg11[%swap3A] {strides = array<i32>} : memref<128xi32, #tpu.memory_space<vmem>>, vector<16xi32>,
    %swap3A_4 = vector.shape_cast %swap3A_3 : vector<16xi32> to vector<16xi32>
    %swap3A_5 = vector.shape_cast %add3A : vector<16xi32> to vector<16xi32>
    tpu.vector_store %arg11[%swap3A], %swap3A_5 {strides = array<i32>} : memref<128xi32, #tpu.memory_space<vmem>>, vector<16xi32>,
    %get3A_6 = arith.constant 16 : index
    %get3A_7 = tpu.vector_load %arg11[%get3A_6] {strides = array<i32>} : memref<128xi32, #tpu.memory_space<vmem>>, vector<16xi32>,
    %get3A_8 = vector.shape_cast %get3A_7 : vector<16xi32> to vector<16xi32>
    %add3A_9 = arith.addi %get3A_8, %broadcast_in_dim3A : vector<16xi32>
    %swap3A_10 = arith.constant 16 : index
    %swap3A_11 = tpu.vector_load %arg11[%swap3A_10] {strides = array<i32>} : memref<128xi32, #tpu.memory_space<vmem>>, vector<16xi32>,
    %swap3A_12 = vector.shape_cast %swap3A_11 : vector<16xi32> to vector<16xi32>
    %swap3A_13 = vector.shape_cast %add3A_9 : vector<16xi32> to vector<16xi32>
    tpu.vector_store %arg11[%swap3A_10], %swap3A_13 {strides = array<i32>} : memref<128xi32, #tpu.memory_space<vmem>>, vector<16xi32>,
    %get3A_14 = arith.constant 32 : index
    %get3A_15 = tpu.vector_load %arg11[%get3A_14] {strides = array<i32>} : memref<128xi32, #tpu.memory_space<vmem>>, vector<16xi32>,
    %get3A_16 = vector.shape_cast %get3A_15 : vector<16xi32> to vector<16xi32>
    %add3A_17 = arith.addi %get3A_16, %broadcast_in_dim3A : vector<16xi32>
    %swap3A_18 = arith.constant 32 : index
    %swap3A_19 = tpu.vector_load %arg11[%swap3A_18] {strides = array<i32>} : memref<128xi32, #tpu.memory_space<vmem>>, vector<16xi32>,
    %swap3A_20 = vector.shape_cast %swap3A_19 : vector<16xi32> to vector<16xi32>
    %swap3A_21 = vector.shape_cast %add3A_17 : vector<16xi32> to vector<16xi32>
    tpu.vector_store %arg11[%swap3A_18], %swap3A_21 {strides = array<i32>} : memref<128xi32, #tpu.memory_space<vmem>>, vector<16xi32>,
    %get3A_22 = arith.constant 48 : index
    %get3A_23 = tpu.vector_load %arg11[%get3A_22] {strides = array<i32>} : memref<128xi32, #tpu.memory_space<vmem>>, vector<16xi32>,
    %get3A_24 = vector.shape_cast %get3A_23 : vector<16xi32> to vector<16xi32>
    %add3A_25 = arith.addi %get3A_24, %broadcast_in_dim3A : vector<16xi32>
    %swap3A_26 = arith.constant 48 : index
    %swap3A_27 = tpu.vector_load %arg11[%swap3A_26] {strides = array<i32>} : memref<128xi32, #tpu.memory_space<vmem>>, vector<16xi32>,
    %swap3A_28 = vector.shape_cast %swap3A_27 : vector<16xi32> to vector<16xi32>
    %swap3A_29 = vector.shape_cast %add3A_25 : vector<16xi32> to vector<16xi32>
    tpu.vector_store %arg11[%swap3A_26], %swap3A_29 {strides = array<i32>} : memref<128xi32, #tpu.memory_space<vmem>>, vector<16xi32>,
    %get3A_30 = arith.constant 64 : index
    %get3A_31 = tpu.vector_load %arg11[%get3A_30] {strides = array<i32>} : memref<128xi32, #tpu.memory_space<vmem>>, vector<16xi32>,
    %get3A_32 = vector.shape_cast %get3A_31 : vector<16xi32> to vector<16xi32>
    %add3A_33 = arith.addi %get3A_32, %broadcast_in_dim3A : vector<16xi32>
    %swap3A_34 = arith.constant 64 : index
    %swap3A_35 = tpu.vector_load %arg11[%swap3A_34] {strides = array<i32>} : memref<128xi32, #tpu.memory_space<vmem>>, vector<16xi32>,
    %swap3A_36 = vector.shape_cast %swap3A_35 : vector<16xi32> to vector<16xi32>
    %swap3A_37 = vector.shape_cast %add3A_33 : vector<16xi32> to vector<16xi32>
    tpu.vector_store %arg11[%swap3A_34], %swap3A_37 {strides = array<i32>} : memref<128xi32, #tpu.memory_space<vmem>>, vector<16xi32>,
    %get3A_38 = arith.constant 80 : index
    %get3A_39 = tpu.vector_load %arg11[%get3A_38] {strides = array<i32>} : memref<128xi32, #tpu.memory_space<vmem>>, vector<16xi32>,
    %get3A_40 = vector.shape_cast %get3A_39 : vector<16xi32> to vector<16xi32>
    %add3A_41 = arith.addi %get3A_40, %broadcast_in_dim3A : vector<16xi32>
    %swap3A_42 = arith.constant 80 : index
    %swap3A_43 = tpu.vector_load %arg11[%swap3A_42] {strides = array<i32>} : memref<128xi32, #tpu.memory_space<vmem>>, vector<16xi32>,
    %swap3A_44 = vector.shape_cast %swap3A_43 : vector<16xi32> to vector<16xi32>
    %swap3A_45 = vector.shape_cast %add3A_41 : vector<16xi32> to vector<16xi32>
    tpu.vector_store %arg11[%swap3A_42], %swap3A_45 {strides = array<i32>} : memref<128xi32, #tpu.memory_space<vmem>>, vector<16xi32>,
    %get3A_46 = arith.constant 96 : index
    %get3A_47 = tpu.vector_load %arg11[%get3A_46] {strides = array<i32>} : memref<128xi32, #tpu.memory_space<vmem>>, vector<16xi32>,
    %get3A_48 = vector.shape_cast %get3A_47 : vector<16xi32> to vector<16xi32>
    %add3A_49 = arith.addi %get3A_48, %broadcast_in_dim3A : vector<16xi32>
    %swap3A_50 = arith.constant 96 : index
    %swap3A_51 = tpu.vector_load %arg11[%swap3A_50] {strides = array<i32>} : memref<128xi32, #tpu.memory_space<vmem>>, vector<16xi32>,
    %swap3A_52 = vector.shape_cast %swap3A_51 : vector<16xi32> to vector<16xi32>
    %swap3A_53 = vector.shape_cast %add3A_49 : vector<16xi32> to vector<16xi32>
    tpu.vector_store %arg11[%swap3A_50], %swap3A_53 {strides = array<i32>} : memref<128xi32, #tpu.memory_space<vmem>>, vector<16xi32>,
    %get3A_54 = arith.constant 112 : index
    %get3A_55 = tpu.vector_load %arg11[%get3A_54] {strides = array<i32>} : memref<128xi32, #tpu.memory_space<vmem>>, vector<16xi32>,
    %get3A_56 = vector.shape_cast %get3A_55 : vector<16xi32> to vector<16xi32>
    %add3A_57 = arith.addi %get3A_56, %broadcast_in_dim3A : vector<16xi32>
    %swap3A_58 = arith.constant 112 : index
    %swap3A_59 = tpu.vector_load %arg11[%swap3A_58] {strides = array<i32>} : memref<128xi32, #tpu.memory_space<vmem>>, vector<16xi32>,
    %swap3A_60 = vector.shape_cast %swap3A_59 : vector<16xi32> to vector<16xi32>
    %swap3A_61 = vector.shape_cast %add3A_57 : vector<16xi32> to vector<16xi32>
    tpu.vector_store %arg11[%swap3A_58], %swap3A_61 {strides = array<i32>} : memref<128xi32, #tpu.memory_space<vmem>>, vector<16xi32>,
    %get3A_62 = arith.constant 0 : index
    %get3A_63 = tpu.vector_load %arg12[%get3A_62] {strides = array<i32>} : memref<128xi32, #tpu.memory_space<vmem>>, vector<16xi32>,
    %get3A_64 = vector.shape_cast %get3A_63 : vector<16xi32> to vector<16xi32>
    %add3A_65 = arith.addi %get3A_64, %broadcast_in_dim3A : vector<16xi32>
    %swap3A_66 = arith.constant 0 : index
    %swap3A_67 = tpu.vector_load %arg12[%swap3A_66] {strides = array<i32>} : memref<128xi32, #tpu.memory_space<vmem>>, vector<16xi32>,
    %swap3A_68 = vector.shape_cast %swap3A_67 : vector<16xi32> to vector<16xi32>
    %swap3A_69 = vector.shape_cast %add3A_65 : vector<16xi32> to vector<16xi32>
    tpu.vector_store %arg12[%swap3A_66], %swap3A_69 {strides = array<i32>} : memref<128xi32, #tpu.memory_space<vmem>>, vector<16xi32>,
    %get3A_70 = arith.constant 16 : index
    %get3A_71 = tpu.vector_load %arg12[%get3A_70] {strides = array<i32>} : memref<128xi32, #tpu.memory_space<vmem>>, vector<16xi32>,
    %get3A_72 = vector.shape_cast %get3A_71 : vector<16xi32> to vector<16xi32>
    %add3A_73 = arith.addi %get3A_72, %broadcast_in_dim3A : vector<16xi32>
    %swap3A_74 = arith.constant 16 : index
    %swap3A_75 = tpu.vector_load %arg12[%swap3A_74] {strides = array<i32>} : memref<128xi32, #tpu.memory_space<vmem>>, vector<16xi32>,
    %swap3A_76 = vector.shape_cast %swap3A_75 : vector<16xi32> to vector<16xi32>
    %swap3A_77 = vector.shape_cast %add3A_73 : vector<16xi32> to vector<16xi32>
    tpu.vector_store %arg12[%swap3A_74], %swap3A_77 {strides = array<i32>} : memref<128xi32, #tpu.memory_space<vmem>>, vector<16xi32>,
    %get3A_78 = arith.constant 32 : index
    %get3A_79 = tpu.vector_load %arg12[%get3A_78] {strides = array<i32>} : memref<128xi32, #tpu.memory_space<vmem>>, vector<16xi32>,
    %get3A_80 = vector.shape_cast %get3A_79 : vector<16xi32> to vector<16xi32>
    %add3A_81 = arith.addi %get3A_80, %broadcast_in_dim3A : vector<16xi32>
    %swap3A_82 = arith.constant 32 : index
    %swap3A_83 = tpu.vector_load %arg12[%swap3A_82] {strides = array<i32>} : memref<128xi32, #tpu.memory_space<vmem>>, vector<16xi32>,
    %swap3A_84 = vector.shape_cast %swap3A_83 : vector<16xi32> to vector<16xi32>
    %swap3A_85 = vector.shape_cast %add3A_81 : vector<16xi32> to vector<16xi32>
    tpu.vector_store %arg12[%swap3A_82], %swap3A_85 {strides = array<i32>} : memref<128xi32, #tpu.memory_space<vmem>>, vector<16xi32>,
    %get3A_86 = arith.constant 48 : index
    %get3A_87 = tpu.vector_load %arg12[%get3A_86] {strides = array<i32>} : memref<128xi32, #tpu.memory_space<vmem>>, vector<16xi32>,
    %get3A_88 = vector.shape_cast %get3A_87 : vector<16xi32> to vector<16xi32>
    %add3A_89 = arith.addi %get3A_88, %broadcast_in_dim3A : vector<16xi32>
    %swap3A_90 = arith.constant 48 : index
    %swap3A_91 = tpu.vector_load %arg12[%swap3A_90] {strides = array<i32>} : memref<128xi32, #tpu.memory_space<vmem>>, vector<16xi32>,
    %swap3A_92 = vector.shape_cast %swap3A_91 : vector<16xi32> to vector<16xi32>
    %swap3A_93 = vector.shape_cast %add3A_89 : vector<16xi32> to vector<16xi32>
    tpu.vector_store %arg12[%swap3A_90], %swap3A_93 {strides = array<i32>} : memref<128xi32, #tpu.memory_space<vmem>>, vector<16xi32>,
    %get3A_94 = arith.constant 64 : index
    %get3A_95 = tpu.vector_load %arg12[%get3A_94] {strides = array<i32>} : memref<128xi32, #tpu.memory_space<vmem>>, vector<16xi32>,
    %get3A_96 = vector.shape_cast %get3A_95 : vector<16xi32> to vector<16xi32>
    %add3A_97 = arith.addi %get3A_96, %broadcast_in_dim3A : vector<16xi32>
    %swap3A_98 = arith.constant 64 : index
    %swap3A_99 = tpu.vector_load %arg12[%swap3A_98] {strides = array<i32>} : memref<128xi32, #tpu.memory_space<vmem>>, vector<16xi32>,
    %swap3A_100 = vector.shape_cast %swap3A_99 : vector<16xi32> to vector<16xi32>
    %swap3A_101 = vector.shape_cast %add3A_97 : vector<16xi32> to vector<16xi32>
    tpu.vector_store %arg12[%swap3A_98], %swap3A_101 {strides = array<i32>} : memref<128xi32, #tpu.memory_space<vmem>>, vector<16xi32>,
    %get3A_102 = arith.constant 80 : index
    %get3A_103 = tpu.vector_load %arg12[%get3A_102] {strides = array<i32>} : memref<128xi32, #tpu.memory_space<vmem>>, vector<16xi32>,
    %get3A_104 = vector.shape_cast %get3A_103 : vector<16xi32> to vector<16xi32>
    %add3A_105 = arith.addi %get3A_104, %broadcast_in_dim3A : vector<16xi32>
    %swap3A_106 = arith.constant 80 : index
    %swap3A_107 = tpu.vector_load %arg12[%swap3A_106] {strides = array<i32>} : memref<128xi32, #tpu.memory_space<vmem>>, vector<16xi32>,
    %swap3A_108 = vector.shape_cast %swap3A_107 : vector<16xi32> to vector<16xi32>
    %swap3A_109 = vector.shape_cast %add3A_105 : vector<16xi32> to vector<16xi32>
    tpu.vector_store %arg12[%swap3A_106], %swap3A_109 {strides = array<i32>} : memref<128xi32, #tpu.memory_space<vmem>>, vector<16xi32>,
    %get3A_110 = arith.constant 96 : index
    %get3A_111 = tpu.vector_load %arg12[%get3A_110] {strides = array<i32>} : memref<128xi32, #tpu.memory_space<vmem>>, vector<16xi32>,
    %get3A_112 = vector.shape_cast %get3A_111 : vector<16xi32> to vector<16xi32>
    %add3A_113 = arith.addi %get3A_112, %broadcast_in_dim3A : vector<16xi32>
    %swap3A_114 = arith.constant 96 : index
    %swap3A_115 = tpu.vector_load %arg12[%swap3A_114] {strides = array<i32>} : memref<128xi32, #tpu.memory_space<vmem>>, vector<16xi32>,
    %swap3A_116 = vector.shape_cast %swap3A_115 : vector<16xi32> to vector<16xi32>
    %swap3A_117 = vector.shape_cast %add3A_113 : vector<16xi32> to vector<16xi32>
    tpu.vector_store %arg12[%swap3A_114], %swap3A_117 {strides = array<i32>} : memref<128xi32, #tpu.memory_space<vmem>>, vector<16xi32>,
    %get3A_118 = arith.constant 112 : index
    %get3A_119 = tpu.vector_load %arg12[%get3A_118] {strides = array<i32>} : memref<128xi32, #tpu.memory_space<vmem>>, vector<16xi32>,
    %get3A_120 = vector.shape_cast %get3A_119 : vector<16xi32> to vector<16xi32>
    %add3A_121 = arith.addi %get3A_120, %broadcast_in_dim3A : vector<16xi32>
    %swap3A_122 = arith.constant 112 : index
    %swap3A_123 = tpu.vector_load %arg12[%swap3A_122] {strides = array<i32>} : memref<128xi32, #tpu.memory_space<vmem>>, vector<16xi32>,
    %swap3A_124 = vector.shape_cast %swap3A_123 : vector<16xi32> to vector<16xi32>
    %swap3A_125 = vector.shape_cast %add3A_121 : vector<16xi32> to vector<16xi32>
    tpu.vector_store %arg12[%swap3A_122], %swap3A_125 {strides = array<i32>} : memref<128xi32, #tpu.memory_space<vmem>>, vector<16xi32>,
    %get3A_126 = arith.constant 0 : index
    %get3A_127 = tpu.vector_load %arg13[%get3A_126] {strides = array<i32>} : memref<128xi32, #tpu.memory_space<vmem>>, vector<16xi32>,
    %get3A_128 = vector.shape_cast %get3A_127 : vector<16xi32> to vector<16xi32>
    %add3A_129 = arith.addi %get3A_128, %broadcast_in_dim3A : vector<16xi32>
    %swap3A_130 = arith.constant 0 : index
    %swap3A_131 = tpu.vector_load %arg13[%swap3A_130] {strides = array<i32>} : memref<128xi32, #tpu.memory_space<vmem>>, vector<16xi32>,
    %swap3A_132 = vector.shape_cast %swap3A_131 : vector<16xi32> to vector<16xi32>
    %swap3A_133 = vector.shape_cast %add3A_129 : vector<16xi32> to vector<16xi32>
    tpu.vector_store %arg13[%swap3A_130], %swap3A_133 {strides = array<i32>} : memref<128xi32, #tpu.memory_space<vmem>>, vector<16xi32>,
    %get3A_134 = arith.constant 16 : index
    %get3A_135 = tpu.vector_load %arg13[%get3A_134] {strides = array<i32>} : memref<128xi32, #tpu.memory_space<vmem>>, vector<16xi32>,
    %get3A_136 = vector.shape_cast %get3A_135 : vector<16xi32> to vector<16xi32>
    %add3A_137 = arith.addi %get3A_136, %broadcast_in_dim3A : vector<16xi32>
    %swap3A_138 = arith.constant 16 : index
    %swap3A_139 = tpu.vector_load %arg13[%swap3A_138] {strides = array<i32>} : memref<128xi32, #tpu.memory_space<vmem>>, vector<16xi32>,
    %swap3A_140 = vector.shape_cast %swap3A_139 : vector<16xi32> to vector<16xi32>
    %swap3A_141 = vector.shape_cast %add3A_137 : vector<16xi32> to vector<16xi32>
    tpu.vector_store %arg13[%swap3A_138], %swap3A_141 {strides = array<i32>} : memref<128xi32, #tpu.memory_space<vmem>>, vector<16xi32>,
    %get3A_142 = arith.constant 32 : index
    %get3A_143 = tpu.vector_load %arg13[%get3A_142] {strides = array<i32>} : memref<128xi32, #tpu.memory_space<vmem>>, vector<16xi32>,
    %get3A_144 = vector.shape_cast %get3A_143 : vector<16xi32> to vector<16xi32>
    %add3A_145 = arith.addi %get3A_144, %broadcast_in_dim3A : vector<16xi32>
    %swap3A_146 = arith.constant 32 : index
    %swap3A_147 = tpu.vector_load %arg13[%swap3A_146] {strides = array<i32>} : memref<128xi32, #tpu.memory_space<vmem>>, vector<16xi32>,
    %swap3A_148 = vector.shape_cast %swap3A_147 : vector<16xi32> to vector<16xi32>
    %swap3A_149 = vector.shape_cast %add3A_145 : vector<16xi32> to vector<16xi32>
    tpu.vector_store %arg13[%swap3A_146], %swap3A_149 {strides = array<i32>} : memref<128xi32, #tpu.memory_space<vmem>>, vector<16xi32>,
    %get3A_150 = arith.constant 48 : index
    %get3A_151 = tpu.vector_load %arg13[%get3A_150] {strides = array<i32>} : memref<128xi32, #tpu.memory_space<vmem>>, vector<16xi32>,
    %get3A_152 = vector.shape_cast %get3A_151 : vector<16xi32> to vector<16xi32>
    %add3A_153 = arith.addi %get3A_152, %broadcast_in_dim3A : vector<16xi32>
    %swap3A_154 = arith.constant 48 : index
    %swap3A_155 = tpu.vector_load %arg13[%swap3A_154] {strides = array<i32>} : memref<128xi32, #tpu.memory_space<vmem>>, vector<16xi32>,
    %swap3A_156 = vector.shape_cast %swap3A_155 : vector<16xi32> to vector<16xi32>
    %swap3A_157 = vector.shape_cast %add3A_153 : vector<16xi32> to vector<16xi32>
    tpu.vector_store %arg13[%swap3A_154], %swap3A_157 {strides = array<i32>} : memref<128xi32, #tpu.memory_space<vmem>>, vector<16xi32>,
    %get3A_158 = arith.constant 64 : index
    %get3A_159 = tpu.vector_load %arg13[%get3A_158] {strides = array<i32>} : memref<128xi32, #tpu.memory_space<vmem>>, vector<16xi32>,
    %get3A_160 = vector.shape_cast %get3A_159 : vector<16xi32> to vector<16xi32>
    %add3A_161 = arith.addi %get3A_160, %broadcast_in_dim3A : vector<16xi32>
    %swap3A_162 = arith.constant 64 : index
    %swap3A_163 = tpu.vector_load %arg13[%swap3A_162] {strides = array<i32>} : memref<128xi32, #tpu.memory_space<vmem>>, vector<16xi32>,
    %swap3A_164 = vector.shape_cast %swap3A_163 : vector<16xi32> to vector<16xi32>
    %swap3A_165 = vector.shape_cast %add3A_161 : vector<16xi32> to vector<16xi32>
    tpu.vector_store %arg13[%swap3A_162], %swap3A_165 {strides = array<i32>} : memref<128xi32, #tpu.memory_space<vmem>>, vector<16xi32>,
    %get3A_166 = arith.constant 80 : index
    %get3A_167 = tpu.vector_load %arg13[%get3A_166] {strides = array<i32>} : memref<128xi32, #tpu.memory_space<vmem>>, vector<16xi32>,
    %get3A_168 = vector.shape_cast %get3A_167 : vector<16xi32> to vector<16xi32>
    %add3A_169 = arith.addi %get3A_168, %broadcast_in_dim3A : vector<16xi32>
    %swap3A_170 = arith.constant 80 : index
    %swap3A_171 = tpu.vector_load %arg13[%swap3A_170] {strides = array<i32>} : memref<128xi32, #tpu.memory_space<vmem>>, vector<16xi32>,
    %swap3A_172 = vector.shape_cast %swap3A_171 : vector<16xi32> to vector<16xi32>
    %swap3A_173 = vector.shape_cast %add3A_169 : vector<16xi32> to vector<16xi32>
    tpu.vector_store %arg13[%swap3A_170], %swap3A_173 {strides = array<i32>} : memref<128xi32, #tpu.memory_space<vmem>>, vector<16xi32>,
    %get3A_174 = arith.constant 96 : index
    %get3A_175 = tpu.vector_load %arg13[%get3A_174] {strides = array<i32>} : memref<128xi32, #tpu.memory_space<vmem>>, vector<16xi32>,
    %get3A_176 = vector.shape_cast %get3A_175 : vector<16xi32> to vector<16xi32>
    %add3A_177 = arith.addi %get3A_176, %broadcast_in_dim3A : vector<16xi32>
    %swap3A_178 = arith.constant 96 : index
    %swap3A_179 = tpu.vector_load %arg13[%swap3A_178] {strides = array<i32>} : memref<128xi32, #tpu.memory_space<vmem>>, vector<16xi32>,
    %swap3A_180 = vector.shape_cast %swap3A_179 : vector<16xi32> to vector<16xi32>
    %swap3A_181 = vector.shape_cast %add3A_177 : vector<16xi32> to vector<16xi32>
    tpu.vector_store %arg13[%swap3A_178], %swap3A_181 {strides = array<i32>} : memref<128xi32, #tpu.memory_space<vmem>>, vector<16xi32>,
    %get3A_182 = arith.constant 112 : index
    %get3A_183 = tpu.vector_load %arg13[%get3A_182] {strides = array<i32>} : memref<128xi32, #tpu.memory_space<vmem>>, vector<16xi32>,
    %get3A_184 = vector.shape_cast %get3A_183 : vector<16xi32> to vector<16xi32>
    %add3A_185 = arith.addi %get3A_184, %broadcast_in_dim3A : vector<16xi32>
    %swap3A_186 = arith.constant 112 : index
    %swap3A_187 = tpu.vector_load %arg13[%swap3A_186] {strides = array<i32>} : memref<128xi32, #tpu.memory_space<vmem>>, vector<16xi32>,
    %swap3A_188 = vector.shape_cast %swap3A_187 : vector<16xi32> to vector<16xi32>
    %swap3A_189 = vector.shape_cast %add3A_185 : vector<16xi32> to vector<16xi32>
    tpu.vector_store %arg13[%swap3A_186], %swap3A_189 {strides = array<i32>} : memref<128xi32, #tpu.memory_space<vmem>>, vector<16xi32>,
    %get3A_190 = arith.constant 0 : index
    %get3A_191 = tpu.vector_load %arg14[%get3A_190] {strides = array<i32>} : memref<128xi32, #tpu.memory_space<vmem>>, vector<16xi32>,
    %get3A_192 = vector.shape_cast %get3A_191 : vector<16xi32> to vector<16xi32>
    %add3A_193 = arith.addi %get3A_192, %broadcast_in_dim3A : vector<16xi32>
    %swap3A_194 = arith.constant 0 : index
    %swap3A_195 = tpu.vector_load %arg14[%swap3A_194] {strides = array<i32>} : memref<128xi32, #tpu.memory_space<vmem>>, vector<16xi32>,
    %swap3A_196 = vector.shape_cast %swap3A_195 : vector<16xi32> to vector<16xi32>
    %swap3A_197 = vector.shape_cast %add3A_193 : vector<16xi32> to vector<16xi32>
    tpu.vector_store %arg14[%swap3A_194], %swap3A_197 {strides = array<i32>} : memref<128xi32, #tpu.memory_space<vmem>>, vector<16xi32>,
    %get3A_198 = arith.constant 16 : index
    %get3A_199 = tpu.vector_load %arg14[%get3A_198] {strides = array<i32>} : memref<128xi32, #tpu.memory_space<vmem>>, vector<16xi32>,
    %get3A_200 = vector.shape_cast %get3A_199 : vector<16xi32> to vector<16xi32>
    %add3A_201 = arith.addi %get3A_200, %broadcast_in_dim3A : vector<16xi32>
    %swap3A_202 = arith.constant 16 : index
    %swap3A_203 = tpu.vector_load %arg14[%swap3A_202] {strides = array<i32>} : memref<128xi32, #tpu.memory_space<vmem>>, vector<16xi32>,
    %swap3A_204 = vector.shape_cast %swap3A_203 : vector<16xi32> to vector<16xi32>
    %swap3A_205 = vector.shape_cast %add3A_201 : vector<16xi32> to vector<16xi32>
    tpu.vector_store %arg14[%swap3A_202], %swap3A_205 {strides = array<i32>} : memref<128xi32, #tpu.memory_space<vmem>>, vector<16xi32>,
    %get3A_206 = arith.constant 32 : index
    %get3A_207 = tpu.vector_load %arg14[%get3A_206] {strides = array<i32>} : memref<128xi32, #tpu.memory_space<vmem>>, vector<16xi32>,
    %get3A_208 = vector.shape_cast %get3A_207 : vector<16xi32> to vector<16xi32>
    %add3A_209 = arith.addi %get3A_208, %broadcast_in_dim3A : vector<16xi32>
    %swap3A_210 = arith.constant 32 : index
    %swap3A_211 = tpu.vector_load %arg14[%swap3A_210] {strides = array<i32>} : memref<128xi32, #tpu.memory_space<vmem>>, vector<16xi32>,
    %swap3A_212 = vector.shape_cast %swap3A_211 : vector<16xi32> to vector<16xi32>
    %swap3A_213 = vector.shape_cast %add3A_209 : vector<16xi32> to vector<16xi32>
    tpu.vector_store %arg14[%swap3A_210], %swap3A_213 {strides = array<i32>} : memref<128xi32, #tpu.memory_space<vmem>>, vector<16xi32>,
    %get3A_214 = arith.constant 48 : index
    %get3A_215 = tpu.vector_load %arg14[%get3A_214] {strides = array<i32>} : memref<128xi32, #tpu.memory_space<vmem>>, vector<16xi32>,
    %get3A_216 = vector.shape_cast %get3A_215 : vector<16xi32> to vector<16xi32>
    %add3A_217 = arith.addi %get3A_216, %broadcast_in_dim3A : vector<16xi32>
    %swap3A_218 = arith.constant 48 : index
    %swap3A_219 = tpu.vector_load %arg14[%swap3A_218] {strides = array<i32>} : memref<128xi32, #tpu.memory_space<vmem>>, vector<16xi32>,
    %swap3A_220 = vector.shape_cast %swap3A_219 : vector<16xi32> to vector<16xi32>
    %swap3A_221 = vector.shape_cast %add3A_217 : vector<16xi32> to vector<16xi32>
    tpu.vector_store %arg14[%swap3A_218], %swap3A_221 {strides = array<i32>} : memref<128xi32, #tpu.memory_space<vmem>>, vector<16xi32>,
    %get3A_222 = arith.constant 64 : index
    %get3A_223 = tpu.vector_load %arg14[%get3A_222] {strides = array<i32>} : memref<128xi32, #tpu.memory_space<vmem>>, vector<16xi32>,
    %get3A_224 = vector.shape_cast %get3A_223 : vector<16xi32> to vector<16xi32>
    %add3A_225 = arith.addi %get3A_224, %broadcast_in_dim3A : vector<16xi32>
    %swap3A_226 = arith.constant 64 : index
    %swap3A_227 = tpu.vector_load %arg14[%swap3A_226] {strides = array<i32>} : memref<128xi32, #tpu.memory_space<vmem>>, vector<16xi32>,
    %swap3A_228 = vector.shape_cast %swap3A_227 : vector<16xi32> to vector<16xi32>
    %swap3A_229 = vector.shape_cast %add3A_225 : vector<16xi32> to vector<16xi32>
    tpu.vector_store %arg14[%swap3A_226], %swap3A_229 {strides = array<i32>} : memref<128xi32, #tpu.memory_space<vmem>>, vector<16xi32>,
    %get3A_230 = arith.constant 80 : index
    %get3A_231 = tpu.vector_load %arg14[%get3A_230] {strides = array<i32>} : memref<128xi32, #tpu.memory_space<vmem>>, vector<16xi32>,
    %get3A_232 = vector.shape_cast %get3A_231 : vector<16xi32> to vector<16xi32>
    %add3A_233 = arith.addi %get3A_232, %broadcast_in_dim3A : vector<16xi32>
    %swap3A_234 = arith.constant 80 : index
    %swap3A_235 = tpu.vector_load %arg14[%swap3A_234] {strides = array<i32>} : memref<128xi32, #tpu.memory_space<vmem>>, vector<16xi32>,
    %swap3A_236 = vector.shape_cast %swap3A_235 : vector<16xi32> to vector<16xi32>
    %swap3A_237 = vector.shape_cast %add3A_233 : vector<16xi32> to vector<16xi32>
    tpu.vector_store %arg14[%swap3A_234], %swap3A_237 {strides = array<i32>} : memref<128xi32, #tpu.memory_space<vmem>>, vector<16xi32>,
    %get3A_238 = arith.constant 96 : index
    %get3A_239 = tpu.vector_load %arg14[%get3A_238] {strides = array<i32>} : memref<128xi32, #tpu.memory_space<vmem>>, vector<16xi32>,
    %get3A_240 = vector.shape_cast %get3A_239 : vector<16xi32> to vector<16xi32>
    %add3A_241 = arith.addi %get3A_240, %broadcast_in_dim3A : vector<16xi32>
    %swap3A_242 = arith.constant 96 : index
    %swap3A_243 = tpu.vector_load %arg14[%swap3A_242] {strides = array<i32>} : memref<128xi32, #tpu.memory_space<vmem>>, vector<16xi32>,
    %swap3A_244 = vector.shape_cast %swap3A_243 : vector<16xi32> to vector<16xi32>
    %swap3A_245 = vector.shape_cast %add3A_241 : vector<16xi32> to vector<16xi32>
    tpu.vector_store %arg14[%swap3A_242], %swap3A_245 {strides = array<i32>} : memref<128xi32, #tpu.memory_space<vmem>>, vector<16xi32>,
    %get3A_246 = arith.constant 112 : index
    %get3A_247 = tpu.vector_load %arg14[%get3A_246] {strides = array<i32>} : memref<128xi32, #tpu.memory_space<vmem>>, vector<16xi32>,
    %get3A_248 = vector.shape_cast %get3A_247 : vector<16xi32> to vector<16xi32>
    %add3A_249 = arith.addi %get3A_248, %broadcast_in_dim3A : vector<16xi32>
    %swap3A_250 = arith.constant 112 : index
    %swap3A_251 = tpu.vector_load %arg14[%swap3A_250] {strides = array<i32>} : memref<128xi32, #tpu.memory_space<vmem>>, vector<16xi32>,
    %swap3A_252 = vector.shape_cast %swap3A_251 : vector<16xi32> to vector<16xi32>
    %swap3A_253 = vector.shape_cast %add3A_249 : vector<16xi32> to vector<16xi32>
    tpu.vector_store %arg14[%swap3A_250], %swap3A_253 {strides = array<i32>} : memref<128xi32, #tpu.memory_space<vmem>>, vector<16xi32>,
    %broadcast_in_dim3A_254 = arith.constant 0.000000e+00 : f32
    %broadcast_in_dim3A_255 = vector.broadcast %broadcast_in_dim3A_254 : f32 to vector<16xf32>
    %broadcast_in_dim3A_256 = arith.constant 1.000000e+00 : f32
    %broadcast_in_dim3A_257 = vector.broadcast %broadcast_in_dim3A_256 : f32 to vector<16xf32>
    %scan3A = arith.constant 0 : i32
    %scan3A_258 = arith.constant 0 : i32
    %scan3A_259 = arith.constant 64 : i32
    %scan3A_260 = arith.addi %scan3A_258, %scan3A_259 : i32
    %scan3A_261 = arith.constant 1 : i32
    scf.for %scan3A_283 = %scan3A_258 to %scan3A_260 step %scan3A_261  : i32 {
      %swap3A_284 = arith.index_cast %scan3A_283 : i32 to index
      %swap3A_285 = arith.constant 0 : index
      %swap3A_286 = tpu.vector_load %arg7[%swap3A_284, %swap3A_285] {strides = array<i32>} : memref<64x64xf32, #tpu.memory_space<vmem>>, vector<1x16xf32>,
      %swap3A_287 = vector.shape_cast %swap3A_286 : vector<1x16xf32> to vector<16xf32>
      %swap3A_288 = vector.shape_cast %broadcast_in_dim3A_255 : vector<16xf32> to vector<1x16xf32>
      tpu.vector_store %arg7[%swap3A_284, %swap3A_285], %swap3A_288 {strides = array<i32>} : memref<64x64xf32, #tpu.memory_space<vmem>>, vector<1x16xf32>,
      %swap3A_289 = arith.index_cast %scan3A_283 : i32 to index
      %swap3A_290 = arith.constant 16 : index
      %swap3A_291 = tpu.vector_load %arg7[%swap3A_289, %swap3A_290] {strides = array<i32>} : memref<64x64xf32, #tpu.memory_space<vmem>>, vector<1x16xf32>,
      %swap3A_292 = vector.shape_cast %swap3A_291 : vector<1x16xf32> to vector<16xf32>
      %swap3A_293 = vector.shape_cast %broadcast_in_dim3A_255 : vector<16xf32> to vector<1x16xf32>
      tpu.vector_store %arg7[%swap3A_289, %swap3A_290], %swap3A_293 {strides = array<i32>} : memref<64x64xf32, #tpu.memory_space<vmem>>, vector<1x16xf32>,
      %swap3A_294 = arith.index_cast %scan3A_283 : i32 to index
      %swap3A_295 = arith.constant 32 : index
      %swap3A_296 = tpu.vector_load %arg7[%swap3A_294, %swap3A_295] {strides = array<i32>} : memref<64x64xf32, #tpu.memory_space<vmem>>, vector<1x16xf32>,
      %swap3A_297 = vector.shape_cast %swap3A_296 : vector<1x16xf32> to vector<16xf32>
      %swap3A_298 = vector.shape_cast %broadcast_in_dim3A_255 : vector<16xf32> to vector<1x16xf32>
      tpu.vector_store %arg7[%swap3A_294, %swap3A_295], %swap3A_298 {strides = array<i32>} : memref<64x64xf32, #tpu.memory_space<vmem>>, vector<1x16xf32>,
      %swap3A_299 = arith.index_cast %scan3A_283 : i32 to index
      %swap3A_300 = arith.constant 48 : index
      %swap3A_301 = tpu.vector_load %arg7[%swap3A_299, %swap3A_300] {strides = array<i32>} : memref<64x64xf32, #tpu.memory_space<vmem>>, vector<1x16xf32>,
      %swap3A_302 = vector.shape_cast %swap3A_301 : vector<1x16xf32> to vector<16xf32>
      %swap3A_303 = vector.shape_cast %broadcast_in_dim3A_255 : vector<16xf32> to vector<1x16xf32>
      tpu.vector_store %arg7[%swap3A_299, %swap3A_300], %swap3A_303 {strides = array<i32>} : memref<64x64xf32, #tpu.memory_space<vmem>>, vector<1x16xf32>,
    }
    %scan3A_262 = arith.constant 64 : i32
    %scan3A_263 = arith.constant 0 : i32
    %scan3A_264 = arith.constant 0 : i32
    %scan3A_265 = arith.constant 128 : i32
    %scan3A_266 = arith.addi %scan3A_264, %scan3A_265 : i32
    %scan3A_267 = arith.constant 1 : i32
    scf.for %scan3A_283 = %scan3A_264 to %scan3A_266 step %scan3A_267  : i32 {
      %swap3A_284 = arith.index_cast %scan3A_283 : i32 to index
      %swap3A_285 = arith.constant 0 : index
      %swap3A_286 = tpu.vector_load %arg8[%swap3A_284, %swap3A_285] {strides = array<i32>} : memref<128x16xf32, #tpu.memory_space<vmem>>, vector<1x16xf32>,
      %swap3A_287 = vector.shape_cast %swap3A_286 : vector<1x16xf32> to vector<16xf32>
      %swap3A_288 = vector.shape_cast %broadcast_in_dim3A_257 : vector<16xf32> to vector<1x16xf32>
      tpu.vector_store %arg8[%swap3A_284, %swap3A_285], %swap3A_288 {strides = array<i32>} : memref<128x16xf32, #tpu.memory_space<vmem>>, vector<1x16xf32>,
    }
    %scan3A_268 = arith.constant 128 : i32
    "tpu.region"() ({
      %run_scoped3A = tpu.sem_alloc : memref<!tpu.dma_semaphore, #tpu.memory_space<semaphore_mem>>
      %dma_start3A = arith.constant 0 : i32
      %dma_start3A_283 = arith.constant 0 : i32
      %dma_start3A_284 = tpu.memref_slice %arg7[%dma_start3A, %dma_start3A_283] : memref<64x64xf32, #tpu.memory_space<vmem>> -> memref<64x16xf32, #tpu.memory_space<vmem>>
      %dma_start3A_285 = arith.constant 0 : i32
      %dma_start3A_286 = tpu.memref_slice %arg16[%mul3A_0, %dma_start3A_285] : memref<1024x16xf32, #tpu.memory_space<vmem_shared>> -> memref<64x16xf32, #tpu.memory_space<vmem_shared>>
      %dma_start3A_287 = arith.constant 0 : i32
      %dma_start3A_288 = tpu.memref_slice %arg16[%mul3A_0, %dma_start3A_287] : memref<1024x16xf32, #tpu.memory_space<vmem_shared>> -> memref<64x16xf32, #tpu.memory_space<vmem_shared>>
      %dma_start3A_289 = arith.constant 0 : i32
      %dma_start3A_290 = arith.constant 0 : i32
      %dma_start3A_291 = tpu.memref_slice %arg7[%dma_start3A_289, %dma_start3A_290] : memref<64x64xf32, #tpu.memory_space<vmem>> -> memref<64x16xf32, #tpu.memory_space<vmem>>
      tpu.enqueue_dma source(%dma_start3A_291 : memref<64x16xf32, #tpu.memory_space<vmem>>) target(%dma_start3A_288 : memref<64x16xf32, #tpu.memory_space<vmem_shared>>) target_semaphore(%run_scoped3A : memref<!tpu.dma_semaphore, #tpu.memory_space<semaphore_mem>>)
      %dma_wait3A = arith.constant 0 : i32
      %dma_wait3A_292 = arith.constant 0 : i32
      %dma_wait3A_293 = tpu.memref_slice %arg7[%dma_wait3A, %dma_wait3A_292] : memref<64x64xf32, #tpu.memory_space<vmem>> -> memref<64x16xf32, #tpu.memory_space<vmem>>
      %dma_wait3A_294 = arith.constant 0 : i32
      %dma_wait3A_295 = tpu.memref_slice %arg16[%mul3A_0, %dma_wait3A_294] : memref<1024x16xf32, #tpu.memory_space<vmem_shared>> -> memref<64x16xf32, #tpu.memory_space<vmem_shared>>
      %dma_wait3A_296 = arith.constant 0 : i32
      %dma_wait3A_297 = tpu.memref_slice %arg16[%mul3A_0, %dma_wait3A_296] : memref<1024x16xf32, #tpu.memory_space<vmem_shared>> -> memref<64x16xf32, #tpu.memory_space<vmem_shared>>
      %dma_wait3A_298 = arith.constant 0 : i32
      %dma_wait3A_299 = arith.constant 0 : i32
      %dma_wait3A_300 = tpu.memref_slice %arg7[%dma_wait3A_298, %dma_wait3A_299] : memref<64x64xf32, #tpu.memory_space<vmem>> -> memref<64x16xf32, #tpu.memory_space<vmem>>
      tpu.wait_dma2 semaphore(%run_scoped3A : memref<!tpu.dma_semaphore, #tpu.memory_space<semaphore_mem>>) src(%dma_wait3A_300 : memref<64x16xf32, #tpu.memory_space<vmem>>) dst(%dma_wait3A_297 : memref<64x16xf32, #tpu.memory_space<vmem_shared>>)
      tpu.yield
    }) : () -> ()
    "tpu.region"() ({
      %run_scoped3A = tpu.sem_alloc : memref<!tpu.dma_semaphore, #tpu.memory_space<semaphore_mem>>
      %dma_start3A = arith.constant 0 : i32
      %dma_start3A_283 = arith.constant 0 : i32
      %dma_start3A_284 = tpu.memref_slice %arg16[%dma_start3A, %dma_start3A_283] : memref<1024x16xf32, #tpu.memory_space<vmem_shared>> -> memref<1024x16xf32, #tpu.memory_space<vmem_shared>>
      tpu.enqueue_indirect_dma source(%arg8 : memref<128x16xf32, #tpu.memory_space<vmem>>) target(%dma_start3A_284 : memref<1024x16xf32, #tpu.memory_space<vmem_shared>>) offsets(%arg11 : memref<128xi32, #tpu.memory_space<vmem>>) semaphore(%run_scoped3A : memref<!tpu.dma_semaphore, #tpu.memory_space<semaphore_mem>>) {add = true}
      %dma_wait3A = arith.constant 0 : i32
      %dma_wait3A_285 = arith.constant 0 : i32
      %dma_wait3A_286 = tpu.memref_slice %arg16[%dma_wait3A, %dma_wait3A_285] : memref<1024x16xf32, #tpu.memory_space<vmem_shared>> -> memref<1024x16xf32, #tpu.memory_space<vmem_shared>>
      tpu.wait_indirect_dma semaphore(%run_scoped3A : memref<!tpu.dma_semaphore, #tpu.memory_space<semaphore_mem>>) src(%arg8 : memref<128x16xf32, #tpu.memory_space<vmem>>) dst(%dma_wait3A_286 : memref<1024x16xf32, #tpu.memory_space<vmem_shared>>)
      tpu.yield
    }) : () -> ()
    "tpu.region"() ({
      %run_scoped3A = tpu.sem_alloc : memref<!tpu.dma_semaphore, #tpu.memory_space<semaphore_mem>>
      %dma_start3A = arith.constant 0 : i32
      %dma_start3A_283 = arith.constant 0 : i32
      %dma_start3A_284 = tpu.memref_slice %arg16[%dma_start3A, %dma_start3A_283] : memref<1024x16xf32, #tpu.memory_space<vmem_shared>> -> memref<1024x16xf32, #tpu.memory_space<vmem_shared>>
      tpu.enqueue_indirect_dma source(%arg8 : memref<128x16xf32, #tpu.memory_space<vmem>>) target(%dma_start3A_284 : memref<1024x16xf32, #tpu.memory_space<vmem_shared>>) offsets(%arg12 : memref<128xi32, #tpu.memory_space<vmem>>) semaphore(%run_scoped3A : memref<!tpu.dma_semaphore, #tpu.memory_space<semaphore_mem>>) {add = true}
      %dma_wait3A = arith.constant 0 : i32
      %dma_wait3A_285 = arith.constant 0 : i32
      %dma_wait3A_286 = tpu.memref_slice %arg16[%dma_wait3A, %dma_wait3A_285] : memref<1024x16xf32, #tpu.memory_space<vmem_shared>> -> memref<1024x16xf32, #tpu.memory_space<vmem_shared>>
      tpu.wait_indirect_dma semaphore(%run_scoped3A : memref<!tpu.dma_semaphore, #tpu.memory_space<semaphore_mem>>) src(%arg8 : memref<128x16xf32, #tpu.memory_space<vmem>>) dst(%dma_wait3A_286 : memref<1024x16xf32, #tpu.memory_space<vmem_shared>>)
      tpu.yield
    }) : () -> ()
    "tpu.region"() ({
      %run_scoped3A = tpu.sem_alloc : memref<!tpu.dma_semaphore, #tpu.memory_space<semaphore_mem>>
      %dma_start3A = arith.constant 0 : i32
      %dma_start3A_283 = arith.constant 0 : i32
      %dma_start3A_284 = tpu.memref_slice %arg16[%dma_start3A, %dma_start3A_283] : memref<1024x16xf32, #tpu.memory_space<vmem_shared>> -> memref<1024x16xf32, #tpu.memory_space<vmem_shared>>
      tpu.enqueue_indirect_dma source(%arg8 : memref<128x16xf32, #tpu.memory_space<vmem>>) target(%dma_start3A_284 : memref<1024x16xf32, #tpu.memory_space<vmem_shared>>) offsets(%arg13 : memref<128xi32, #tpu.memory_space<vmem>>) semaphore(%run_scoped3A : memref<!tpu.dma_semaphore, #tpu.memory_space<semaphore_mem>>) {add = true}
      %dma_wait3A = arith.constant 0 : i32
      %dma_wait3A_285 = arith.constant 0 : i32
      %dma_wait3A_286 = tpu.memref_slice %arg16[%dma_wait3A, %dma_wait3A_285] : memref<1024x16xf32, #tpu.memory_space<vmem_shared>> -> memref<1024x16xf32, #tpu.memory_space<vmem_shared>>
      tpu.wait_indirect_dma semaphore(%run_scoped3A : memref<!tpu.dma_semaphore, #tpu.memory_space<semaphore_mem>>) src(%arg8 : memref<128x16xf32, #tpu.memory_space<vmem>>) dst(%dma_wait3A_286 : memref<1024x16xf32, #tpu.memory_space<vmem_shared>>)
      tpu.yield
    }) : () -> ()
    "tpu.region"() ({
      %run_scoped3A = tpu.sem_alloc : memref<!tpu.dma_semaphore, #tpu.memory_space<semaphore_mem>>
      %dma_start3A = arith.constant 0 : i32
      %dma_start3A_283 = arith.constant 0 : i32
      %dma_start3A_284 = tpu.memref_slice %arg16[%dma_start3A, %dma_start3A_283] : memref<1024x16xf32, #tpu.memory_space<vmem_shared>> -> memref<1024x16xf32, #tpu.memory_space<vmem_shared>>
      tpu.enqueue_indirect_dma source(%arg8 : memref<128x16xf32, #tpu.memory_space<vmem>>) target(%dma_start3A_284 : memref<1024x16xf32, #tpu.memory_space<vmem_shared>>) offsets(%arg14 : memref<128xi32, #tpu.memory_space<vmem>>) semaphore(%run_scoped3A : memref<!tpu.dma_semaphore, #tpu.memory_space<semaphore_mem>>) {add = true}
      %dma_wait3A = arith.constant 0 : i32
      %dma_wait3A_285 = arith.constant 0 : i32
      %dma_wait3A_286 = tpu.memref_slice %arg16[%dma_wait3A, %dma_wait3A_285] : memref<1024x16xf32, #tpu.memory_space<vmem_shared>> -> memref<1024x16xf32, #tpu.memory_space<vmem_shared>>
      tpu.wait_indirect_dma semaphore(%run_scoped3A : memref<!tpu.dma_semaphore, #tpu.memory_space<semaphore_mem>>) src(%arg8 : memref<128x16xf32, #tpu.memory_space<vmem>>) dst(%dma_wait3A_286 : memref<1024x16xf32, #tpu.memory_space<vmem_shared>>)
      tpu.yield
    }) : () -> ()
    "tpu.region"() ({
      %run_scoped3A = tpu.sem_alloc : memref<!tpu.dma_semaphore, #tpu.memory_space<semaphore_mem>>
      %dma_start3A = arith.constant 0 : i32
      %dma_start3A_283 = tpu.memref_slice %arg16[%mul3A_0, %dma_start3A] : memref<1024x16xf32, #tpu.memory_space<vmem_shared>> -> memref<64x16xf32, #tpu.memory_space<vmem_shared>>
      %dma_start3A_284 = arith.constant 0 : i32
      %dma_start3A_285 = tpu.memref_slice %arg16[%mul3A_0, %dma_start3A_284] : memref<1024x16xf32, #tpu.memory_space<vmem_shared>> -> memref<64x16xf32, #tpu.memory_space<vmem_shared>>
      tpu.enqueue_dma source(%dma_start3A_285 : memref<64x16xf32, #tpu.memory_space<vmem_shared>>) target(%arg9 : memref<64x16xf32, #tpu.memory_space<vmem>>) target_semaphore(%run_scoped3A : memref<!tpu.dma_semaphore, #tpu.memory_space<semaphore_mem>>)
      %dma_wait3A = arith.constant 0 : i32
      %dma_wait3A_286 = tpu.memref_slice %arg16[%mul3A_0, %dma_wait3A] : memref<1024x16xf32, #tpu.memory_space<vmem_shared>> -> memref<64x16xf32, #tpu.memory_space<vmem_shared>>
      %dma_wait3A_287 = arith.constant 0 : i32
      %dma_wait3A_288 = tpu.memref_slice %arg16[%mul3A_0, %dma_wait3A_287] : memref<1024x16xf32, #tpu.memory_space<vmem_shared>> -> memref<64x16xf32, #tpu.memory_space<vmem_shared>>
      tpu.wait_dma2 semaphore(%run_scoped3A : memref<!tpu.dma_semaphore, #tpu.memory_space<semaphore_mem>>) src(%dma_wait3A_288 : memref<64x16xf32, #tpu.memory_space<vmem_shared>>) dst(%arg9 : memref<64x16xf32, #tpu.memory_space<vmem>>)
      tpu.yield
    }) : () -> ()
    %scan3A_269 = arith.constant 0 : i32
    %scan3A_270 = arith.constant 0 : i32
    %scan3A_271 = arith.constant 64 : i32
    %scan3A_272 = arith.addi %scan3A_270, %scan3A_271 : i32
    %scan3A_273 = arith.constant 1 : i32
    scf.for %scan3A_283 = %scan3A_270 to %scan3A_272 step %scan3A_273  : i32 {
      %get3A_284 = arith.index_cast %scan3A_283 : i32 to index
      %get3A_285 = arith.constant 0 : index
      %get3A_286 = tpu.vector_load %arg9[%get3A_284, %get3A_285] {strides = array<i32>} : memref<64x16xf32, #tpu.memory_space<vmem>>, vector<1x16xf32>,
      %get3A_287 = vector.shape_cast %get3A_286 : vector<1x16xf32> to vector<16xf32>
      %max3A = arith.maximumf %get3A_287, %broadcast_in_dim3A_257 : vector<16xf32>
      %div3A = arith.divf %broadcast_in_dim3A_257, %max3A : vector<16xf32>
      %swap3A_288 = arith.index_cast %scan3A_283 : i32 to index
      %swap3A_289 = arith.constant 0 : index
      %swap3A_290 = tpu.vector_load %arg10[%swap3A_288, %swap3A_289] {strides = array<i32>} : memref<64x16xf32, #tpu.memory_space<vmem>>, vector<1x16xf32>,
      %swap3A_291 = vector.shape_cast %swap3A_290 : vector<1x16xf32> to vector<16xf32>
      %swap3A_292 = vector.shape_cast %div3A : vector<16xf32> to vector<1x16xf32>
      tpu.vector_store %arg10[%swap3A_288, %swap3A_289], %swap3A_292 {strides = array<i32>} : memref<64x16xf32, #tpu.memory_space<vmem>>, vector<1x16xf32>,
    }
    %scan3A_274 = arith.constant 64 : i32
    %mul3A_275 = arith.constant 2048 : i32
    %mul3A_276 = arith.muli %arg0, %mul3A_275 : i32
    %scan3A_277 = arith.constant 0 : i32
    %scan3A_278 = arith.constant 0 : i32
    %scan3A_279 = arith.constant 32 : i32
    %scan3A_280 = arith.addi %scan3A_278, %scan3A_279 : i32
    %scan3A_281 = arith.constant 1 : i32
    scf.for %scan3A_283 = %scan3A_278 to %scan3A_280 step %scan3A_281  : i32 {
      %mul3A_284 = arith.constant 64 : i32
      %mul3A_285 = arith.muli %scan3A_283, %mul3A_284 : i32
      %add3A_286 = arith.addi %mul3A_276, %mul3A_285 : i32
      %mul3A_287 = arith.constant 512 : i32
      %mul3A_288 = arith.muli %arg1, %mul3A_287 : i32
      "tpu.region"() ({
        %run_scoped3A = tpu.sem_alloc : memref<!tpu.dma_semaphore, #tpu.memory_space<semaphore_mem>>
        %dma_start3A = tpu.memref_slice %arg2[%mul3A_288, %add3A_286] : memref<8192x4096xf32, #tpu.memory_space<hbm>> -> memref<512x64xf32, #tpu.memory_space<hbm>>
        %dma_start3A_319 = tpu.memref_slice %arg2[%mul3A_288, %add3A_286] : memref<8192x4096xf32, #tpu.memory_space<hbm>> -> memref<512x64xf32, #tpu.memory_space<hbm>>
        tpu.enqueue_dma source(%dma_start3A_319 : memref<512x64xf32, #tpu.memory_space<hbm>>) target(%arg5 : memref<512x64xf32, #tpu.memory_space<vmem>>) target_semaphore(%run_scoped3A : memref<!tpu.dma_semaphore, #tpu.memory_space<semaphore_mem>>)
        %dma_wait3A = tpu.memref_slice %arg2[%mul3A_288, %add3A_286] : memref<8192x4096xf32, #tpu.memory_space<hbm>> -> memref<512x64xf32, #tpu.memory_space<hbm>>
        %dma_wait3A_320 = tpu.memref_slice %arg2[%mul3A_288, %add3A_286] : memref<8192x4096xf32, #tpu.memory_space<hbm>> -> memref<512x64xf32, #tpu.memory_space<hbm>>
        tpu.wait_dma2 semaphore(%run_scoped3A : memref<!tpu.dma_semaphore, #tpu.memory_space<semaphore_mem>>) src(%dma_wait3A_320 : memref<512x64xf32, #tpu.memory_space<hbm>>) dst(%arg5 : memref<512x64xf32, #tpu.memory_space<vmem>>)
        tpu.yield
      }) : () -> ()
      "tpu.region"() ({
        %run_scoped3A = tpu.sem_alloc : memref<!tpu.dma_semaphore, #tpu.memory_space<semaphore_mem>>
        %dma_start3A = arith.constant 0 : i32
        %dma_start3A_319 = tpu.memref_slice %arg15[%mul3A_0, %dma_start3A] : memref<1024x64xf32, #tpu.memory_space<vmem_shared>> -> memref<64x64xf32, #tpu.memory_space<vmem_shared>>
        %dma_start3A_320 = arith.constant 0 : i32
        %dma_start3A_321 = tpu.memref_slice %arg15[%mul3A_0, %dma_start3A_320] : memref<1024x64xf32, #tpu.memory_space<vmem_shared>> -> memref<64x64xf32, #tpu.memory_space<vmem_shared>>
        tpu.enqueue_dma source(%arg7 : memref<64x64xf32, #tpu.memory_space<vmem>>) target(%dma_start3A_321 : memref<64x64xf32, #tpu.memory_space<vmem_shared>>) target_semaphore(%run_scoped3A : memref<!tpu.dma_semaphore, #tpu.memory_space<semaphore_mem>>)
        %dma_wait3A = arith.constant 0 : i32
        %dma_wait3A_322 = tpu.memref_slice %arg15[%mul3A_0, %dma_wait3A] : memref<1024x64xf32, #tpu.memory_space<vmem_shared>> -> memref<64x64xf32, #tpu.memory_space<vmem_shared>>
        %dma_wait3A_323 = arith.constant 0 : i32
        %dma_wait3A_324 = tpu.memref_slice %arg15[%mul3A_0, %dma_wait3A_323] : memref<1024x64xf32, #tpu.memory_space<vmem_shared>> -> memref<64x64xf32, #tpu.memory_space<vmem_shared>>
        tpu.wait_dma2 semaphore(%run_scoped3A : memref<!tpu.dma_semaphore, #tpu.memory_space<semaphore_mem>>) src(%arg7 : memref<64x64xf32, #tpu.memory_space<vmem>>) dst(%dma_wait3A_324 : memref<64x64xf32, #tpu.memory_space<vmem_shared>>)
        tpu.yield
      }) : () -> ()
      "tpu.region"() ({
        %run_scoped3A = tpu.sem_alloc : memref<!tpu.dma_semaphore, #tpu.memory_space<semaphore_mem>>
        %dma_start3A = arith.constant 0 : i32
        %dma_start3A_319 = arith.constant 0 : i32
        %dma_start3A_320 = tpu.memref_slice %arg5[%dma_start3A, %dma_start3A_319] : memref<512x64xf32, #tpu.memory_space<vmem>> -> memref<128x64xf32, #tpu.memory_space<vmem>>
        %dma_start3A_321 = arith.constant 0 : i32
        %dma_start3A_322 = arith.constant 0 : i32
        %dma_start3A_323 = tpu.memref_slice %arg15[%dma_start3A_321, %dma_start3A_322] : memref<1024x64xf32, #tpu.memory_space<vmem_shared>> -> memref<1024x64xf32, #tpu.memory_space<vmem_shared>>
        tpu.enqueue_indirect_dma source(%dma_start3A_320 : memref<128x64xf32, #tpu.memory_space<vmem>>) target(%dma_start3A_323 : memref<1024x64xf32, #tpu.memory_space<vmem_shared>>) offsets(%arg11 : memref<128xi32, #tpu.memory_space<vmem>>) semaphore(%run_scoped3A : memref<!tpu.dma_semaphore, #tpu.memory_space<semaphore_mem>>) {add = true}
        %dma_wait3A = arith.constant 0 : i32
        %dma_wait3A_324 = arith.constant 0 : i32
        %dma_wait3A_325 = tpu.memref_slice %arg5[%dma_wait3A, %dma_wait3A_324] : memref<512x64xf32, #tpu.memory_space<vmem>> -> memref<128x64xf32, #tpu.memory_space<vmem>>
        %dma_wait3A_326 = arith.constant 0 : i32
        %dma_wait3A_327 = arith.constant 0 : i32
        %dma_wait3A_328 = tpu.memref_slice %arg15[%dma_wait3A_326, %dma_wait3A_327] : memref<1024x64xf32, #tpu.memory_space<vmem_shared>> -> memref<1024x64xf32, #tpu.memory_space<vmem_shared>>
        tpu.wait_indirect_dma semaphore(%run_scoped3A : memref<!tpu.dma_semaphore, #tpu.memory_space<semaphore_mem>>) src(%dma_wait3A_325 : memref<128x64xf32, #tpu.memory_space<vmem>>) dst(%dma_wait3A_328 : memref<1024x64xf32, #tpu.memory_space<vmem_shared>>)
        tpu.yield
      }) : () -> ()
      "tpu.region"() ({
        %run_scoped3A = tpu.sem_alloc : memref<!tpu.dma_semaphore, #tpu.memory_space<semaphore_mem>>
        %dma_start3A = arith.constant 128 : i32
        %dma_start3A_319 = arith.constant 0 : i32
        %dma_start3A_320 = tpu.memref_slice %arg5[%dma_start3A, %dma_start3A_319] : memref<512x64xf32, #tpu.memory_space<vmem>> -> memref<128x64xf32, #tpu.memory_space<vmem>>
        %dma_start3A_321 = arith.constant 0 : i32
        %dma_start3A_322 = arith.constant 0 : i32
        %dma_start3A_323 = tpu.memref_slice %arg15[%dma_start3A_321, %dma_start3A_322] : memref<1024x64xf32, #tpu.memory_space<vmem_shared>> -> memref<1024x64xf32, #tpu.memory_space<vmem_shared>>
        tpu.enqueue_indirect_dma source(%dma_start3A_320 : memref<128x64xf32, #tpu.memory_space<vmem>>) target(%dma_start3A_323 : memref<1024x64xf32, #tpu.memory_space<vmem_shared>>) offsets(%arg12 : memref<128xi32, #tpu.memory_space<vmem>>) semaphore(%run_scoped3A : memref<!tpu.dma_semaphore, #tpu.memory_space<semaphore_mem>>) {add = true}
        %dma_wait3A = arith.constant 128 : i32
        %dma_wait3A_324 = arith.constant 0 : i32
        %dma_wait3A_325 = tpu.memref_slice %arg5[%dma_wait3A, %dma_wait3A_324] : memref<512x64xf32, #tpu.memory_space<vmem>> -> memref<128x64xf32, #tpu.memory_space<vmem>>
        %dma_wait3A_326 = arith.constant 0 : i32
        %dma_wait3A_327 = arith.constant 0 : i32
        %dma_wait3A_328 = tpu.memref_slice %arg15[%dma_wait3A_326, %dma_wait3A_327] : memref<1024x64xf32, #tpu.memory_space<vmem_shared>> -> memref<1024x64xf32, #tpu.memory_space<vmem_shared>>
        tpu.wait_indirect_dma semaphore(%run_scoped3A : memref<!tpu.dma_semaphore, #tpu.memory_space<semaphore_mem>>) src(%dma_wait3A_325 : memref<128x64xf32, #tpu.memory_space<vmem>>) dst(%dma_wait3A_328 : memref<1024x64xf32, #tpu.memory_space<vmem_shared>>)
        tpu.yield
      }) : () -> ()
      "tpu.region"() ({
        %run_scoped3A = tpu.sem_alloc : memref<!tpu.dma_semaphore, #tpu.memory_space<semaphore_mem>>
        %dma_start3A = arith.constant 256 : i32
        %dma_start3A_319 = arith.constant 0 : i32
        %dma_start3A_320 = tpu.memref_slice %arg5[%dma_start3A, %dma_start3A_319] : memref<512x64xf32, #tpu.memory_space<vmem>> -> memref<128x64xf32, #tpu.memory_space<vmem>>
        %dma_start3A_321 = arith.constant 0 : i32
        %dma_start3A_322 = arith.constant 0 : i32
        %dma_start3A_323 = tpu.memref_slice %arg15[%dma_start3A_321, %dma_start3A_322] : memref<1024x64xf32, #tpu.memory_space<vmem_shared>> -> memref<1024x64xf32, #tpu.memory_space<vmem_shared>>
        tpu.enqueue_indirect_dma source(%dma_start3A_320 : memref<128x64xf32, #tpu.memory_space<vmem>>) target(%dma_start3A_323 : memref<1024x64xf32, #tpu.memory_space<vmem_shared>>) offsets(%arg13 : memref<128xi32, #tpu.memory_space<vmem>>) semaphore(%run_scoped3A : memref<!tpu.dma_semaphore, #tpu.memory_space<semaphore_mem>>) {add = true}
        %dma_wait3A = arith.constant 256 : i32
        %dma_wait3A_324 = arith.constant 0 : i32
        %dma_wait3A_325 = tpu.memref_slice %arg5[%dma_wait3A, %dma_wait3A_324] : memref<512x64xf32, #tpu.memory_space<vmem>> -> memref<128x64xf32, #tpu.memory_space<vmem>>
        %dma_wait3A_326 = arith.constant 0 : i32
        %dma_wait3A_327 = arith.constant 0 : i32
        %dma_wait3A_328 = tpu.memref_slice %arg15[%dma_wait3A_326, %dma_wait3A_327] : memref<1024x64xf32, #tpu.memory_space<vmem_shared>> -> memref<1024x64xf32, #tpu.memory_space<vmem_shared>>
        tpu.wait_indirect_dma semaphore(%run_scoped3A : memref<!tpu.dma_semaphore, #tpu.memory_space<semaphore_mem>>) src(%dma_wait3A_325 : memref<128x64xf32, #tpu.memory_space<vmem>>) dst(%dma_wait3A_328 : memref<1024x64xf32, #tpu.memory_space<vmem_shared>>)
        tpu.yield
      }) : () -> ()
      "tpu.region"() ({
        %run_scoped3A = tpu.sem_alloc : memref<!tpu.dma_semaphore, #tpu.memory_space<semaphore_mem>>
        %dma_start3A = arith.constant 384 : i32
        %dma_start3A_319 = arith.constant 0 : i32
        %dma_start3A_320 = tpu.memref_slice %arg5[%dma_start3A, %dma_start3A_319] : memref<512x64xf32, #tpu.memory_space<vmem>> -> memref<128x64xf32, #tpu.memory_space<vmem>>
        %dma_start3A_321 = arith.constant 0 : i32
        %dma_start3A_322 = arith.constant 0 : i32
        %dma_start3A_323 = tpu.memref_slice %arg15[%dma_start3A_321, %dma_start3A_322] : memref<1024x64xf32, #tpu.memory_space<vmem_shared>> -> memref<1024x64xf32, #tpu.memory_space<vmem_shared>>
        tpu.enqueue_indirect_dma source(%dma_start3A_320 : memref<128x64xf32, #tpu.memory_space<vmem>>) target(%dma_start3A_323 : memref<1024x64xf32, #tpu.memory_space<vmem_shared>>) offsets(%arg14 : memref<128xi32, #tpu.memory_space<vmem>>) semaphore(%run_scoped3A : memref<!tpu.dma_semaphore, #tpu.memory_space<semaphore_mem>>) {add = true}
        %dma_wait3A = arith.constant 384 : i32
        %dma_wait3A_324 = arith.constant 0 : i32
        %dma_wait3A_325 = tpu.memref_slice %arg5[%dma_wait3A, %dma_wait3A_324] : memref<512x64xf32, #tpu.memory_space<vmem>> -> memref<128x64xf32, #tpu.memory_space<vmem>>
        %dma_wait3A_326 = arith.constant 0 : i32
        %dma_wait3A_327 = arith.constant 0 : i32
        %dma_wait3A_328 = tpu.memref_slice %arg15[%dma_wait3A_326, %dma_wait3A_327] : memref<1024x64xf32, #tpu.memory_space<vmem_shared>> -> memref<1024x64xf32, #tpu.memory_space<vmem_shared>>
        tpu.wait_indirect_dma semaphore(%run_scoped3A : memref<!tpu.dma_semaphore, #tpu.memory_space<semaphore_mem>>) src(%dma_wait3A_325 : memref<128x64xf32, #tpu.memory_space<vmem>>) dst(%dma_wait3A_328 : memref<1024x64xf32, #tpu.memory_space<vmem_shared>>)
        tpu.yield
      }) : () -> ()
      "tpu.region"() ({
        %run_scoped3A = tpu.sem_alloc : memref<!tpu.dma_semaphore, #tpu.memory_space<semaphore_mem>>
        %dma_start3A = arith.constant 0 : i32
        %dma_start3A_319 = tpu.memref_slice %arg15[%mul3A_0, %dma_start3A] : memref<1024x64xf32, #tpu.memory_space<vmem_shared>> -> memref<64x64xf32, #tpu.memory_space<vmem_shared>>
        %dma_start3A_320 = arith.constant 0 : i32
        %dma_start3A_321 = tpu.memref_slice %arg15[%mul3A_0, %dma_start3A_320] : memref<1024x64xf32, #tpu.memory_space<vmem_shared>> -> memref<64x64xf32, #tpu.memory_space<vmem_shared>>
        tpu.enqueue_dma source(%dma_start3A_321 : memref<64x64xf32, #tpu.memory_space<vmem_shared>>) target(%arg6 : memref<64x64xf32, #tpu.memory_space<vmem>>) target_semaphore(%run_scoped3A : memref<!tpu.dma_semaphore, #tpu.memory_space<semaphore_mem>>)
        %dma_wait3A = arith.constant 0 : i32
        %dma_wait3A_322 = tpu.memref_slice %arg15[%mul3A_0, %dma_wait3A] : memref<1024x64xf32, #tpu.memory_space<vmem_shared>> -> memref<64x64xf32, #tpu.memory_space<vmem_shared>>
        %dma_wait3A_323 = arith.constant 0 : i32
        %dma_wait3A_324 = tpu.memref_slice %arg15[%mul3A_0, %dma_wait3A_323] : memref<1024x64xf32, #tpu.memory_space<vmem_shared>> -> memref<64x64xf32, #tpu.memory_space<vmem_shared>>
        tpu.wait_dma2 semaphore(%run_scoped3A : memref<!tpu.dma_semaphore, #tpu.memory_space<semaphore_mem>>) src(%dma_wait3A_324 : memref<64x64xf32, #tpu.memory_space<vmem_shared>>) dst(%arg6 : memref<64x64xf32, #tpu.memory_space<vmem>>)
        tpu.yield
      }) : () -> ()
      %scan3A_289 = arith.constant 0 : i32
      %scan3A_290 = arith.constant 0 : i32
      %scan3A_291 = arith.constant 64 : i32
      %scan3A_292 = arith.addi %scan3A_290, %scan3A_291 : i32
      %scan3A_293 = arith.constant 1 : i32
      scf.for %scan3A_319 = %scan3A_290 to %scan3A_292 step %scan3A_293  : i32 {
        %get3A_320 = arith.index_cast %scan3A_319 : i32 to index
        %get3A_321 = arith.constant 0 : index
        %get3A_322 = tpu.vector_load %arg10[%get3A_320, %get3A_321] {strides = array<i32>} : memref<64x16xf32, #tpu.memory_space<vmem>>, vector<1x16xf32>,
        %get3A_323 = vector.shape_cast %get3A_322 : vector<1x16xf32> to vector<16xf32>
        %get3A_324 = arith.index_cast %scan3A_319 : i32 to index
        %get3A_325 = arith.constant 0 : index
        %get3A_326 = tpu.vector_load %arg6[%get3A_324, %get3A_325] {strides = array<i32>} : memref<64x64xf32, #tpu.memory_space<vmem>>, vector<1x16xf32>,
        %get3A_327 = vector.shape_cast %get3A_326 : vector<1x16xf32> to vector<16xf32>
        %mul3A_328 = arith.mulf %get3A_327, %get3A_323 : vector<16xf32>
        %swap3A_329 = arith.index_cast %scan3A_319 : i32 to index
        %swap3A_330 = arith.constant 0 : index
        %swap3A_331 = tpu.vector_load %arg6[%swap3A_329, %swap3A_330] {strides = array<i32>} : memref<64x64xf32, #tpu.memory_space<vmem>>, vector<1x16xf32>,
        %swap3A_332 = vector.shape_cast %swap3A_331 : vector<1x16xf32> to vector<16xf32>
        %swap3A_333 = vector.shape_cast %mul3A_328 : vector<16xf32> to vector<1x16xf32>
        tpu.vector_store %arg6[%swap3A_329, %swap3A_330], %swap3A_333 {strides = array<i32>} : memref<64x64xf32, #tpu.memory_space<vmem>>, vector<1x16xf32>,
        %get3A_334 = arith.index_cast %scan3A_319 : i32 to index
        %get3A_335 = arith.constant 16 : index
        %get3A_336 = tpu.vector_load %arg6[%get3A_334, %get3A_335] {strides = array<i32>} : memref<64x64xf32, #tpu.memory_space<vmem>>, vector<1x16xf32>,
        %get3A_337 = vector.shape_cast %get3A_336 : vector<1x16xf32> to vector<16xf32>
        %mul3A_338 = arith.mulf %get3A_337, %get3A_323 : vector<16xf32>
        %swap3A_339 = arith.index_cast %scan3A_319 : i32 to index
        %swap3A_340 = arith.constant 16 : index
        %swap3A_341 = tpu.vector_load %arg6[%swap3A_339, %swap3A_340] {strides = array<i32>} : memref<64x64xf32, #tpu.memory_space<vmem>>, vector<1x16xf32>,
        %swap3A_342 = vector.shape_cast %swap3A_341 : vector<1x16xf32> to vector<16xf32>
        %swap3A_343 = vector.shape_cast %mul3A_338 : vector<16xf32> to vector<1x16xf32>
        tpu.vector_store %arg6[%swap3A_339, %swap3A_340], %swap3A_343 {strides = array<i32>} : memref<64x64xf32, #tpu.memory_space<vmem>>, vector<1x16xf32>,
        %get3A_344 = arith.index_cast %scan3A_319 : i32 to index
        %get3A_345 = arith.constant 32 : index
        %get3A_346 = tpu.vector_load %arg6[%get3A_344, %get3A_345] {strides = array<i32>} : memref<64x64xf32, #tpu.memory_space<vmem>>, vector<1x16xf32>,
        %get3A_347 = vector.shape_cast %get3A_346 : vector<1x16xf32> to vector<16xf32>
        %mul3A_348 = arith.mulf %get3A_347, %get3A_323 : vector<16xf32>
        %swap3A_349 = arith.index_cast %scan3A_319 : i32 to index
        %swap3A_350 = arith.constant 32 : index
        %swap3A_351 = tpu.vector_load %arg6[%swap3A_349, %swap3A_350] {strides = array<i32>} : memref<64x64xf32, #tpu.memory_space<vmem>>, vector<1x16xf32>,
        %swap3A_352 = vector.shape_cast %swap3A_351 : vector<1x16xf32> to vector<16xf32>
        %swap3A_353 = vector.shape_cast %mul3A_348 : vector<16xf32> to vector<1x16xf32>
        tpu.vector_store %arg6[%swap3A_349, %swap3A_350], %swap3A_353 {strides = array<i32>} : memref<64x64xf32, #tpu.memory_space<vmem>>, vector<1x16xf32>,
        %get3A_354 = arith.index_cast %scan3A_319 : i32 to index
        %get3A_355 = arith.constant 48 : index
        %get3A_356 = tpu.vector_load %arg6[%get3A_354, %get3A_355] {strides = array<i32>} : memref<64x64xf32, #tpu.memory_space<vmem>>, vector<1x16xf32>,
        %get3A_357 = vector.shape_cast %get3A_356 : vector<1x16xf32> to vector<16xf32>
        %mul3A_358 = arith.mulf %get3A_357, %get3A_323 : vector<16xf32>
        %swap3A_359 = arith.index_cast %scan3A_319 : i32 to index
        %swap3A_360 = arith.constant 48 : index
        %swap3A_361 = tpu.vector_load %arg6[%swap3A_359, %swap3A_360] {strides = array<i32>} : memref<64x64xf32, #tpu.memory_space<vmem>>, vector<1x16xf32>,
        %swap3A_362 = vector.shape_cast %swap3A_361 : vector<1x16xf32> to vector<16xf32>
        %swap3A_363 = vector.shape_cast %mul3A_358 : vector<16xf32> to vector<1x16xf32>
        tpu.vector_store %arg6[%swap3A_359, %swap3A_360], %swap3A_363 {strides = array<i32>} : memref<64x64xf32, #tpu.memory_space<vmem>>, vector<1x16xf32>,
      }
      %scan3A_294 = arith.constant 64 : i32
      %jit3A = arith.constant 1024 : i32
      %div3A = arith.divsi %add3A_286, %jit3A : i32
      %sign3A = arith.constant 0 : i32
      %sign3A_295 = arith.cmpi sgt, %add3A_286, %sign3A : i32
      %sign3A_296 = arith.extui %sign3A_295 : i1 to i32
      %sign3A_297 = arith.constant 0 : i32
      %sign3A_298 = arith.cmpi slt, %add3A_286, %sign3A_297 : i32
      %sign3A_299 = arith.extui %sign3A_298 : i1 to i32
      %sign3A_300 = arith.subi %sign3A_296, %sign3A_299 : i32
      %sign3A_301 = arith.constant 0 : i32
      %sign3A_302 = arith.cmpi sgt, %jit3A, %sign3A_301 : i32
      %sign3A_303 = arith.extui %sign3A_302 : i1 to i32
      %sign3A_304 = arith.constant 0 : i32
      %sign3A_305 = arith.cmpi slt, %jit3A, %sign3A_304 : i32
      %sign3A_306 = arith.extui %sign3A_305 : i1 to i32
      %sign3A_307 = arith.subi %sign3A_303, %sign3A_306 : i32
      %ne3A = arith.cmpi ne, %sign3A_300, %sign3A_307 : i32
      %rem3A = arith.remsi %add3A_286, %jit3A : i32
      %ne3A_308 = arith.constant 0 : i32
      %ne3A_309 = arith.cmpi ne, %rem3A, %ne3A_308 : i32
      %and3A = arith.andi %ne3A, %ne3A_309 : i1
      %sub3A = arith.constant 1 : i32
      %sub3A_310 = arith.subi %div3A, %sub3A : i32
      %select_n3A = arith.select %and3A, %sub3A_310, %div3A : i32
      %mul3A_311 = arith.constant 1024 : i32
      %mul3A_312 = arith.muli %select_n3A, %mul3A_311 : i32
      %sub3A_313 = arith.subi %add3A_286, %mul3A_312 : i32
      %mul3A_314 = arith.constant 256 : i32
      %mul3A_315 = arith.muli %arg1, %mul3A_314 : i32
      %mul3A_316 = arith.constant 64 : i32
      %mul3A_317 = arith.muli %select_n3A, %mul3A_316 : i32
      %add3A_318 = arith.addi %mul3A_315, %mul3A_317 : i32
      "tpu.region"() ({
        %run_scoped3A = tpu.sem_alloc : memref<!tpu.dma_semaphore, #tpu.memory_space<semaphore_mem>>
        %dma_start3A = tpu.memref_slice %arg4[%add3A_318, %sub3A_313] : memref<4096x1024xf32, #tpu.memory_space<hbm>> -> memref<64x64xf32, #tpu.memory_space<hbm>>
        %dma_start3A_319 = tpu.memref_slice %arg4[%add3A_318, %sub3A_313] : memref<4096x1024xf32, #tpu.memory_space<hbm>> -> memref<64x64xf32, #tpu.memory_space<hbm>>
        tpu.enqueue_dma source(%arg6 : memref<64x64xf32, #tpu.memory_space<vmem>>) target(%dma_start3A_319 : memref<64x64xf32, #tpu.memory_space<hbm>>) target_semaphore(%run_scoped3A : memref<!tpu.dma_semaphore, #tpu.memory_space<semaphore_mem>>)
        %dma_wait3A = tpu.memref_slice %arg4[%add3A_318, %sub3A_313] : memref<4096x1024xf32, #tpu.memory_space<hbm>> -> memref<64x64xf32, #tpu.memory_space<hbm>>
        %dma_wait3A_320 = tpu.memref_slice %arg4[%add3A_318, %sub3A_313] : memref<4096x1024xf32, #tpu.memory_space<hbm>> -> memref<64x64xf32, #tpu.memory_space<hbm>>
        tpu.wait_dma2 semaphore(%run_scoped3A : memref<!tpu.dma_semaphore, #tpu.memory_space<semaphore_mem>>) src(%arg6 : memref<64x64xf32, #tpu.memory_space<vmem>>) dst(%dma_wait3A_320 : memref<64x64xf32, #tpu.memory_space<hbm>>)
        tpu.yield
      }) : () -> ()
    }
    %scan3A_282 = arith.constant 32 : i32
    return
  }
}

</mosaic_0001>

<sc_bundles>
// kernel: kernel.3.cloned.1.call-start
scs
__scs_entry_jumppad:
0x0: {  	(pc) =	sbr.rel $0x88, $3  }
0x1: {  	(tag) =	ssettag $0x0;
	lr =	simm.s32 $0x1  }
0x2: {  	[smem:$0x3F9F] =	sst lr;
	_ =	strace $0xD0000000  }
0x3: {  	_ = 	snop  }
0x4: {  	_ = 	snop  }
0x5: {  	_ = 	snop  }
0x6: {  	_ = 	snop  }
0x7: {  	_ = 	snop  }
__scs_overlays_trampoline_lowered:
0x8: {  	[smem:$0x3FAE] =	sst s0  }
0x9: {  	[smem:$0x3FAF] =	sst s1  }
0xa: {  	[smem:$0x3FB0] =	sst s2  }
0xb: {  	[smem:$0x3FB1] =	sst s3  }
0xc: {  	[smem:$0x3FB2] =	sst s4  }
0xd: {  	[smem:$0x3FB3] =	sst s5  }
0xe: {  	[smem:$0x3FB4] =	sst s6  }
0xf: {  	[smem:$0x3FB5] =	sst s7  }
0x10: {  	[smem:$0x3FB6] =	sst s8  }
0x11: {  	[smem:$0x3FB7] =	sst s9;
	s0 =	simm.s32 @!p0 $0x0  }
0x12: {  	s1 =	sld [smem:$0x3F9D];
	s0 =	simm.s32 @p0 $0x1  }
0x13: {  	[smem:$0x3FB8] =	sst s0;
	s0 =	simm.s32 @!p1 $0x0  }
0x14: {  	s2 =	sld [smem:$0x3F9C];
	s0 =	simm.s32 @p1 $0x1  }
0x15: {  	[smem:$0x3FB9] =	sst s0;
	s0 =	simm.s32 @!p2 $0x0  }
0x16: {  	s3 =	sld [smem:$0x3FDB];
	s0 =	simm.s32 @p2 $0x1  }
0x17: {  	s4 =	simm.s32 $0x1BF5;
	[smem:$0x3FBB] =	sst s0  }
0x18: {  	s0 =	sld [smem:$0x3F9E];
	_ =	swait.ge [sflag:s4], $0x0  }
0x19: {  	s7 =	sld [smem:$0x3F9F]  }
0x1a: {  	s8 =	sadd.s32 $0xFFFFE003, lr  }
0x1b: {  	s9 =	sadd.s32 $0xFFFFFEF7, lr;
	s5 =	simm.s32 $0xFFFFFFFF;
	p2 =	slt.u32 s8, $0xFFFFF086  }
0x1c: {  	p1 =	slt.u32 s9, $0xF7A;
	s5 =	simm.s32 @!p2 $0x0  }
0x1d: {  	s5 =	simm.s32 @p1 $0x1;
	p0 =	seq.s32 s7, s2  }
0x1e: {  	s7 =	smul.u32 @!p0 $0xF7A, s2;
	p2 =	seq.s32 @!p0 s5, $0x0  }
0x1f: {  	s9 =	smul.u32 $0xF7A, s1;
	s8 =	simm.s32 @!p0 $0x1BF5;
	p2 =	por !p2, p0  }
0x20: {  	[sflag:s8] =	ssyncset.s32 @!p0 $0xFFFFF086;
	s6 =	sadd.s32 @!p0 s3, s7;
	s7 =	simm.s32 @!p0 $0x108  }
0x21: {  	s3 =	sadd.s32 s3, s9;
	s6 =	sadd.s32 @!p0 $0x88, s6;
	s7 =	simm.s32 @p2 $0x1082  }
0x22: {  	[simem:s7], [sflag:s8] =	dma.local @!p0 [hbm:s6], $0xF7A  }
0x23: {  	s9 =	sor.u32 $0xD0000000, s2;
	s6 =	simm.s32 $0x108;
	_ =	swait.ge @!p0 [sflag:s8], $0x0  }
0x24: {  	s3 =	sadd.s32 $0x88, s3;
	s6 =	simm.s32 @!p1 $0x1082;
	[sflag:s4] =	ssyncset.s32 $0xFFFFF086  }
0x25: {  	[simem:s6], [sflag:s4] =	dma.local [hbm:s3], $0xF7A  }
0x26: {  	[smem:$0x3F9F] =	sst s1;
	(tag) =	ssettag s2;
	_ =	strace s9  }
0x27: {  	s1 =	sld [smem:$0x3FAF]  }
0x28: {  	s2 =	sld [smem:$0x3FB0]  }
0x29: {  	s4 =	sld [smem:$0x3FB2]  }
0x2a: {  	p0 =	seq.s32 s5, $0x0;
	s5 =	sld [smem:$0x3FB3]  }
0x2b: {  	s6 =	sld [smem:$0x3FB4]  }
0x2c: {  	s7 =	sld [smem:$0x3FB5]  }
0x2d: {  	s3 =	simm.s32 $0x108;
	s8 =	sld [smem:$0x3FB6]  }
0x2e: {  	s3 =	simm.s32 @!p0 $0x1082;
	s9 =	sld [smem:$0x3FB7]  }
0x2f: {  	lr =	sadd.s32 s0, s3;
	s0 =	sld [smem:$0x3FAE]  }
0x30: {  	s3 =	sld [smem:$0x3FB1]  }
0x31: {  	[smem:$0x3FBA] =	sst s10  }
0x32: {  	s10 =	sld [smem:$0x3FB8];
	_ =	sdelay $0x3  }
0x33: {  	p0 =	seq.s32 s10, $0x1;
	s10 =	sld [smem:$0x3FBA];
	_ =	sdelay $0x3  }
0x34: {  	[smem:$0x3FBA] =	sst s10  }
0x35: {  	s10 =	sld [smem:$0x3FB9];
	_ =	sdelay $0x3  }
0x36: {  	p1 =	seq.s32 s10, $0x1;
	s10 =	sld [smem:$0x3FBA];
	_ =	sdelay $0x3  }
0x37: {  	[smem:$0x3FBA] =	sst s10  }
0x38: {  	s10 =	sld [smem:$0x3FBB]  }
0x39: {  	_ = 	snop;
	(pc) =	sbr.ind lr, $3  }
0x3a: {  	_ = 	snop  }
0x3b: {  	_ = 	snop  }
0x3c: {  	p2 =	seq.s32 s10, $0x1;
	s10 =	sld [smem:$0x3FBA]  }
0x3d: {  	_ =	shalt  }
0x3e: {  	_ =	shalt  }
0x3f: {  	_ =	shalt  }
0x40: {  	_ =	shalt  }
0x41: {  	_ =	shalt  }
0x42: {  	_ =	shalt  }
0x43: {  	_ =	shalt  }
0x44: {  	_ =	shalt  }
0x45: {  	_ =	shalt  }
0x46: {  	_ =	shalt  }
0x47: {  	_ =	shalt  }
0x48: {  	_ =	shalt  }
0x49: {  	_ =	shalt  }
0x4a: {  	_ =	shalt  }
0x4b: {  	_ =	shalt  }
0x4c: {  	_ =	shalt  }
0x4d: {  	_ =	shalt  }
0x4e: {  	_ =	shalt  }
0x4f: {  	_ =	shalt  }
0x50: {  	_ =	shalt  }
0x51: {  	_ =	shalt  }
0x52: {  	_ =	shalt  }
0x53: {  	_ =	shalt  }
0x54: {  	_ =	shalt  }
0x55: {  	_ =	shalt  }
0x56: {  	_ =	shalt  }
0x57: {  	_ =	shalt  }
0x58: {  	_ =	shalt  }
0x59: {  	_ =	shalt  }
0x5a: {  	_ =	shalt  }
0x5b: {  	_ =	shalt  }
0x5c: {  	_ =	shalt  }
0x5d: {  	_ =	shalt  }
0x5e: {  	_ =	shalt  }
0x5f: {  	_ =	shalt  }
0x60: {  	_ =	shalt  }
0x61: {  	_ =	shalt  }
0x62: {  	_ =	shalt  }
0x63: {  	_ =	shalt  }
0x64: {  	_ =	shalt  }
0x65: {  	_ =	shalt  }
0x66: {  	_ =	shalt  }
0x67: {  	_ =	shalt  }
0x68: {  	_ =	shalt  }
0x69: {  	_ =	shalt  }
0x6a: {  	_ =	shalt  }
0x6b: {  	_ =	shalt  }
0x6c: {  	_ =	shalt  }
0x6d: {  	_ =	shalt  }
0x6e: {  	_ =	shalt  }
0x6f: {  	_ =	shalt  }
0x70: {  	_ =	shalt  }
0x71: {  	_ =	shalt  }
0x72: {  	_ =	shalt  }
0x73: {  	_ =	shalt  }
0x74: {  	_ =	shalt  }
0x75: {  	_ =	shalt  }
0x76: {  	_ =	shalt  }
0x77: {  	_ =	shalt  }
0x78: {  	_ =	shalt  }
0x79: {  	_ =	shalt  }
0x7a: {  	_ =	shalt  }
0x7b: {  	_ =	shalt  }
0x7c: {  	_ =	shalt  }
0x7d: {  	_ =	shalt  }
0x7e: {  	_ =	shalt  }
0x7f: {  	_ =	shalt  }
0x80: {  	_ =	shalt  }
0x81: {  	_ =	shalt  }
0x82: {  	_ =	shalt  }
0x83: {  	_ =	shalt  }
0x84: {  	_ =	shalt  }
0x85: {  	_ =	shalt  }
0x86: {  	_ =	shalt  }
0x87: {  	_ =	shalt  }
.Lfunc_end0:
.L_simem_size_0:
called_computation.1_lowered:
.L_overlay_start_0:
0x88: {  	s2 =	sld [smem:$0x3FD9]  }
0x89: {  	s3 =	sld [smem:$0x3FFE];
	_ =	sdelay $0x1  }
0x8a: {  	s1 =	srdreg.scid  }
0x8b: {  	s0 =	sand.u32 $0x1, s1  }
0x8c: {  	s17 =	sshll.u32 s0, $0xA;
	s2 =	sadd.s32 s3, s2  }
0x8d: {  	s2 =	sadd.s32 s2, s17  }
0x8e: {  	[smem:$0x3FC6] =	sst s2  }
0x8f: {  	_ = 	snop  }
0x90: {  	s2 =	sld [smem:$0x3FC8];
	(tm) =	ssettm $0x1  }
0x91: {  	s18 =	sld [smem:$0x3FFB];
	_ =	sdelay $0x3  }
0x92: {  	_ =	strace s18  }
0x93: {  	s3 =	sld [smem:$0x3FFC];
	_ =	sdelay $0x3  }
0x94: {  	_ =	strace s3  }
0x95: {  	s3 =	sld [smem:$0x3FFD];
	_ =	sdelay $0x3  }
0x96: {  	_ =	strace s3  }
0x97: {  	_ =	strace $0x8FFFFFFF  }
0x98: {  	s19 =	sld [smem:$0x3FDB];
	_ =	sdelay $0x1  }
0x99: {  	s4 =	simm.s32 $_scs_section_size  }
0x9a: {  	s5 =	simm.s32 $_size__tile_overlayer_lowered;
	s6 =	simm.s32 $_tile_overlayer_lowered  }
0x9b: {  	s22 =	simm.s32 $0x1BFF;
	s21 =	sshll.u32 s6, $0x1;
	s3 =	sadd.s32 s4, s19  }
0x9c: {  	s7 =	simm.s32 $0x0;
	s20 =	sshll.u32 s5, $0x1;
	s5 =	sadd.s32 s21, s3  }
0x9d: {  	[timem:s7], [sflag:s22] =	dma.local [hbm:s5], s20  }
0x9e: {  	_ =	swait.ge [sflag:s22], s20  }
0x9f: {  	s4 =	ssub.s32 $0x0, s20;
	[sflag:s22] =	ssyncset.done $0x0  }
0xa0: {  	[sflag:s22] =	ssyncadd.s32 s4;
	_ =	sdelay $0x1  }
0xa1: {  	s23 =	simm.s32 $0x1B8B  }
0xa2: {  	_ =	swait.ge [sflag:s23], $0x1  }
0xa3: {  	[sflag:s23] =	ssyncset.done $0x0  }
0xa4: {  	s25 =	simm.s32 $0x1B8E;
	s24 =	sld [smem:$0x3FFE];
	[sflag:s23] =	ssyncadd.s32 $0xFFFFFFFF  }
0xa5: {  	s26 =	simm.s32 $execute0_lowered;
	[smem:$0x3FD2] =	sst s25  }
0xa6: {  	s5 =	sshll.u32 s26, $0x1;
	_ =	strace $0x80000049;
	[dreg:$0x1] =	wrdreg $0xFFFFFFFF  }
0xa7: {  	s28 =	simm.s32 $_size_execute0_lowered;
	s3 =	sadd.s32 s3, s5;
	[dreg:$0x0] =	wrdreg $0x0  }
0xa8: {  	s5 =	sshll.u32 s28, $0x1;
	[dreg:$0x2] =	wrdreg s3  }
0xa9: {  	[dreg:$0x3] =	wrdreg s5  }
0xaa: {  	[dreg:$0x4] =	wrdreg $0xC0  }
0xab: {  	_ =	task [dreg:s7], $0x5FFFF  }
0xac: {  	[dreg:$0x1] =	wrdreg $0xFFFFFFFF  }
0xad: {  	[dreg:$0x0] =	wrdreg $0x60  }
0xae: {  	[dreg:$0x2] =	wrdreg s24  }
0xaf: {  	[dreg:$0x3] =	wrdreg s2  }
0xb0: {  	[dreg:$0x4] =	wrdreg $0xC2000  }
0xb1: {  	[dreg:$0x5] =	wrdreg $0xB2000  }
0xb2: {  	[dreg:$0x6] =	wrdreg $0x9  }
0xb3: {  	_ =	task.clear_ibuf [dreg:s7], $0x7FFFF;
	_ =	strace $0x90000049  }
0xb4: {  	s29 =	simm.s32 $0x9;
	_ =	strace $0x8000004B  }
0xb5: {  	_ =	swait.ge [sflag:s29], $0x1  }
0xb6: {  	[sflag:s29] =	ssyncadd.s32 $0xFFFFFFFF  }
0xb7: {  	_ =	strace $0x9000004B  }
0xb8: {  	_ =	sfence  }
0xb9: {  	s30 =	sld [smem:$0x0];
	_ =	sdelay $0x2  }
0xba: {  	s31 =	sshll.u32 s1, $0xD;
	s1 =	sshrl.u32 s1, $0x2  }
0xbb: {  	s3 =	sand.u32 $0x4000, s31;
	s1 =	sadd.s32 s1, s30  }
0xbc: {  	s0 =	sor.u32 s3, s0;
	s1 =	sshll.u32 s1, $0x11  }
0xbd: {  	s0 =	sor.u32 s1, s0  }
0xbe: {  	s0 =	sadd.s32 $0x8F2B, s0  }
0xbf: {  	[sflag:s0] =	ssyncadd.remote.s32 $0x1  }
0xc0: {  	_ =	sfence.sel $0xFFFF  }
0xc1: {  	[dreg:$0x0] =	wrdreg $0xFFFFFFFF;
	(pc) =	sbr.abs _section_cstart, $3  }
0xc2: {  	[dreg:$0x1] =	wrdreg $0xFFFFFFFF  }
0xc3: {  	_ =	task.clear_ibuf [dreg:s7], $0x2FFFF;
	_ =	strace $0x9FFFFFFF  }
0xc4: {  	(tm) =	ssettm $0x7FFFFFFF  }
0xc5: {  	_ =	shalt  }
tec
execute0_lowered:
.L_overlay_start_1:
0x0: {  	(tag) =	ssettag $0x1  }
0x1: {  	s0 =	rddreg [dreg:$0x0]  }
0x2: {  	s2 =	rddreg [dreg:$0x1]  }
0x3: {  	s10 =	rddreg [dreg:$0x2]  }
0x4: {  	s3 =	rddreg [dreg:$0x3];
	s4 =	simm.s32 $0x0  }
0x5: {  	s1 =	srdreg.scid;
	s15 =	stileid.u32;
	s17 =	simm.s32 $0xB000  }
0x6: {  	s18 =	simm.s32 $0x1;
	s19 =	simm.s32 $0xB080;
	s20 =	simm.s32 $0xB100  }
0x7: {  	s21 =	simm.s32 $0xB180;
	s22 =	simm.s32 $0x80;
	s28 =	simm.s32 $0x9000  }
0x8: {  	s29 =	simm.s32 $0x2000;
	s30 =	simm.s32 $0x4000;
	s31 =	simm.s32 $0x6000  }
0x9: {  	[smem:$0x7FF] =	sst s4;
	s1 =	sand.u32 $0x1, s1;
	s6 =	sadd.s32 $0x800, s0  }
0xa: {  	s7 =	sadd.s32 $0x400800, s0;
	s24 =	sshll.u32 s15, $0x6;
	s8 =	sshll.u32 s15, $0xC  }
0xb: {  	s9 =	sadd.s32 $0x10, s2;
	s25 =	sadd.s32 $0x20, s2;
	s2 =	sadd.s32 $0x30, s2  }
0xc: {  	s13 =	sshll.u32 s15, $0x15;
	_ =	strace $0x8000004A;
	[dreg:$0x5] =	wrdreg s9  }
0xd: {  	s15 =	sshll.u32 s15, $0x12;
	s5 =	ssub.s32 $0x2, s1;
	[dreg:$0x6] =	wrdreg s25  }
0xe: {  	s26 =	sshrl.u32 s8, $0x2;
	[dreg:$0x7] =	wrdreg s2;
	s12 =	sshll.u32 s1, $0xB  }
0xf: {  	s14 =	sadd.s32 s8, s3;
	s25 =	simm.s32 $0x40;
	s23 =	sshrl.u32 s5, $0x1  }
0x10: {  	v0 =	vmov s24;
	s24 =	simm.s32 $0x0;
	s11 =	sadd.s32 s26, s10;
	s0 =	ssub.s32 s5, s23  }
0x11: {  	s26 =	simm.s32 $0x1000;
	s23 =	simm.s32 $0xA000;
	s0 =	smax.u32 s0, $0x1  }
0x12: {  	v1 =	vimm.f32 $0.0e+00;
	v2 =	vimm.f32 $1.000000000e+00;
	s5 =	simm.s32 $0x400;
	[dreg:$0x8] =	wrdreg s0;
	s0 =	simm.s32 $0x8000  }
.LBB2_1:
0x13: {  	s1 =	rddreg [dreg:$0x1]  }
0x14: {  	[tilespmem:s17], [sflag:$0x1] =	stream.linear.gather [hbm4b:s1+s4], $0x80, $0x38;
	[tilespmem:$0xC600] =	vst v63  }
0x15: {  	_ =	swait.ge [sflag:s18], $0x80  }
0x16: {  	[sflag:s18] =	ssyncset.done $0x0  }
0x17: {  	s9 =	rddreg [dreg:$0x5];
	[sflag:s18] =	ssyncadd.s32 $0xFFFFFF80  }
0x18: {  	[tilespmem:s19], [sflag:$0x1] =	stream.linear.gather [hbm4b:s9+s4], $0x80, $0x38;
	[tilespmem:$0xC600] =	vst v63  }
0x19: {  	_ =	swait.ge [sflag:s18], $0x80  }
0x1a: {  	[sflag:s18] =	ssyncset.done $0x0  }
0x1b: {  	s10 =	rddreg [dreg:$0x6];
	[sflag:s18] =	ssyncadd.s32 $0xFFFFFF80  }
0x1c: {  	[tilespmem:s20], [sflag:$0x1] =	stream.linear.gather [hbm4b:s10+s4], $0x80, $0x38;
	[tilespmem:$0xC600] =	vst v63  }
0x1d: {  	_ =	swait.ge [sflag:s18], $0x80  }
0x1e: {  	[sflag:s18] =	ssyncset.done $0x0  }
0x1f: {  	s16 =	rddreg [dreg:$0x7];
	[sflag:s18] =	ssyncadd.s32 $0xFFFFFF80  }
0x20: {  	[tilespmem:s21], [sflag:$0x1] =	stream.linear.gather [hbm4b:s16+s4], $0x80, $0x38;
	[tilespmem:$0xC600] =	vst v63  }
0x21: {  	_ =	swait.ge [sflag:s18], $0x80  }
0x22: {  	[sflag:s18] =	ssyncset.done $0x0  }
0x23: {  	[sflag:s18] =	ssyncadd.s32 $0xFFFFFF80  }
0x24: {  	v3 =	vld [tilespmem:$0xB000]  }
0x25: {  	v4 =	vld [tilespmem:$0xB010]  }
0x26: {  	v5 =	vld [tilespmem:$0xB020]  }
0x27: {  	v6 =	vld [tilespmem:$0xB030]  }
0x28: {  	v7 =	vld [tilespmem:$0xB040]  }
0x29: {  	v8 =	vld [tilespmem:$0xB050];
	v3 =	vadd.s32 v0, v3  }
0x2a: {  	v38 =	vld [tilespmem:$0xB060];
	[tilespmem:$0xB000] =	vst v3;
	v3 =	vadd.s32 v0, v4  }
0x2b: {  	v39 =	vld [tilespmem:$0xB070];
	[tilespmem:$0xB010] =	vst v3;
	v3 =	vadd.s32 v0, v5  }
0x2c: {  	v40 =	vld [tilespmem:$0xB080];
	[tilespmem:$0xB020] =	vst v3;
	v3 =	vadd.s32 v0, v6  }
0x2d: {  	v41 =	vld [tilespmem:$0xB090];
	[tilespmem:$0xB030] =	vst v3;
	v3 =	vadd.s32 v0, v7  }
0x2e: {  	v42 =	vld [tilespmem:$0xB0A0];
	[tilespmem:$0xB040] =	vst v3;
	v3 =	vadd.s32 v0, v8  }
0x2f: {  	v43 =	vld [tilespmem:$0xB0B0];
	[tilespmem:$0xB050] =	vst v3;
	v3 =	vadd.s32 v0, v38  }
0x30: {  	v44 =	vld [tilespmem:$0xB0C0];
	[tilespmem:$0xB060] =	vst v3;
	v3 =	vadd.s32 v0, v39  }
0x31: {  	v45 =	vld [tilespmem:$0xB0D0];
	[tilespmem:$0xB070] =	vst v3;
	v3 =	vadd.s32 v0, v40  }
0x32: {  	v46 =	vld [tilespmem:$0xB0E0];
	[tilespmem:$0xB080] =	vst v3;
	v3 =	vadd.s32 v0, v41  }
0x33: {  	v47 =	vld [tilespmem:$0xB0F0];
	[tilespmem:$0xB090] =	vst v3;
	v3 =	vadd.s32 v0, v42  }
0x34: {  	v48 =	vld [tilespmem:$0xB100];
	[tilespmem:$0xB0A0] =	vst v3;
	v3 =	vadd.s32 v0, v43  }
0x35: {  	v49 =	vld [tilespmem:$0xB110];
	[tilespmem:$0xB0B0] =	vst v3;
	v3 =	vadd.s32 v0, v44  }
0x36: {  	v50 =	vld [tilespmem:$0xB120];
	[tilespmem:$0xB0C0] =	vst v3;
	v3 =	vadd.s32 v0, v45  }
0x37: {  	v51 =	vld [tilespmem:$0xB130];
	[tilespmem:$0xB0D0] =	vst v3;
	v3 =	vadd.s32 v0, v46  }
0x38: {  	v52 =	vld [tilespmem:$0xB140];
	[tilespmem:$0xB0E0] =	vst v3;
	v3 =	vadd.s32 v0, v47  }
0x39: {  	v53 =	vld [tilespmem:$0xB150];
	[tilespmem:$0xB0F0] =	vst v3;
	v3 =	vadd.s32 v0, v48  }
0x3a: {  	v54 =	vld [tilespmem:$0xB160];
	[tilespmem:$0xB100] =	vst v3;
	v3 =	vadd.s32 v0, v49  }
0x3b: {  	v55 =	vld [tilespmem:$0xB170];
	[tilespmem:$0xB110] =	vst v3;
	v3 =	vadd.s32 v0, v50  }
0x3c: {  	v56 =	vld [tilespmem:$0xB180];
	[tilespmem:$0xB120] =	vst v3;
	v3 =	vadd.s32 v0, v51  }
0x3d: {  	v57 =	vld [tilespmem:$0xB190];
	[tilespmem:$0xB130] =	vst v3;
	v3 =	vadd.s32 v0, v52  }
0x3e: {  	v58 =	vld [tilespmem:$0xB1A0];
	[tilespmem:$0xB140] =	vst v3;
	v3 =	vadd.s32 v0, v53  }
0x3f: {  	v59 =	vld [tilespmem:$0xB1B0];
	[tilespmem:$0xB150] =	vst v3;
	v3 =	vadd.s32 v0, v54  }
0x40: {  	v60 =	vld [tilespmem:$0xB1C0];
	[tilespmem:$0xB160] =	vst v3;
	v3 =	vadd.s32 v0, v55  }
0x41: {  	v61 =	vld [tilespmem:$0xB1D0];
	[tilespmem:$0xB170] =	vst v3;
	v3 =	vadd.s32 v0, v56  }
0x42: {  	v62 =	vld [tilespmem:$0xB1E0];
	[tilespmem:$0xB180] =	vst v3;
	v3 =	vadd.s32 v0, v57  }
0x43: {  	v63 =	vld [tilespmem:$0xB1F0];
	[tilespmem:$0xB190] =	vst v3;
	v3 =	vadd.s32 v0, v58  }
0x44: {  	[tilespmem:$0xB1A0] =	vst v3;
	v3 =	vadd.s32 v0, v59  }
0x45: {  	[tilespmem:$0xB1B0] =	vst v3;
	v3 =	vadd.s32 v0, v60  }
0x46: {  	[tilespmem:$0xB1C0] =	vst v3;
	v3 =	vadd.s32 v0, v61  }
0x47: {  	[tilespmem:$0xB1D0] =	vst v3;
	v3 =	vadd.s32 v0, v62  }
0x48: {  	[tilespmem:$0xB1E0] =	vst v3;
	v3 =	vadd.s32 v0, v63  }
0x49: {  	s8 =	simm.s32 $0x100;
	s1 =	simm.s32 $0x0;
	[tilespmem:$0xB1F0] =	vst v3  }
.LBB2_2:
0x4a: {  	p0 =	sne.s32 s8, $0x3F00;
	[tilespmem:s1+$0x9030] =	vst v1;
	s9 =	smov.u32 s8;
	s8 =	sadd.s32 $0x100, s8  }
.Ltmp0:
0x4b: {  	[tilespmem:s1+$0x9020] =	vst v1;
	(pc) =	sbr.rel @p0 .LBB2_2-.Ltmp0, $3  }
0x4c: {  	[tilespmem:s1+$0x9000] =	vst v1  }
0x4d: {  	[tilespmem:s1+$0x9010] =	vst v1;
	_ =	sdelay $0x1  }
0x4e: {  	s1 =	sshra.s32 s9, $0x2  }
0x4f: {  	[tilespmem:s1+$0x9030] =	vst v1  }
0x50: {  	[tilespmem:s1+$0x9020] =	vst v1  }
0x51: {  	[tilespmem:s1+$0x9000] =	vst v1  }
0x52: {  	s8 =	simm.s32 $0x0;
	[tilespmem:s1+$0x9010] =	vst v1  }
.LBB2_4:
0x53: {  	p0 =	sne.s32 s8, $0x1FC0  }
.Ltmp1:
0x54: {  	_ = 	snop;
	(pc) =	sbr.rel @p0 .LBB2_4-.Ltmp1, $3  }
0x55: {  	_ =	sdelay $0x1  }
0x56: {  	s1 =	sshra.s32 s8, $0x2  }
0x57: {  	s8 =	sadd.s32 $0x40, s8;
	[tilespmem:s1+$0xA000] =	vst v2  }
0x58: {  	s1 =	simm.s32 $0x9000;
	s8 =	sadd.s32 $0x0, s11  }
0x59: {  	[spmem:s8] =	stream.linear.scatter [tilespmem:s1], [sflag:$0x1], $0x10, $0x38;
	[tilespmem:$0xC600] =	vst v63  }
0x5a: {  	s8 =	simm.s32 $0x40  }
.LBB2_6:
0x5b: {  	p0 =	sne.s32 s8, $0xFC0  }
.Ltmp2:
0x5c: {  	_ = 	snop;
	(pc) =	sbr.rel @p0 .LBB2_6-.Ltmp2, $4  }
0x5d: {  	_ = 	snop  }
0x5e: {  	s9 =	sshra.s32 s8, $0x2;
	s8 =	sadd.s32 $0x40, s8  }
0x5f: {  	s1 =	sadd.s32 $0x40, s1;
	s9 =	sadd.s32 s9, s11  }
0x60: {  	[spmem:s9] =	stream.linear.scatter [tilespmem:s1], [sflag:$0x1], $0x10, $0x38;
	[tilespmem:$0xC600] =	vst v63  }
0x61: {  	_ =	swait.ge [sflag:s18], $0x400  }
0x62: {  	[sflag:s18] =	ssyncset.done $0x0  }
0x63: {  	[sflag:s18] =	ssyncadd.s32 $0xFFFFFC00  }
0x64: {  	s1 =	rddreg [dreg:$0x2]  }
0x65: {  	[spmem:s1] =	stream.indirect.scatter.add.f32 [tilespmem:s23], [sflag:$0x1], $0x10, s17, s22, $0xb8;
	[tilespmem:$0xC600] =	vst v63  }
0x66: {  	_ =	swait.ge [sflag:s18], $0x800  }
0x67: {  	[sflag:s18] =	ssyncset.done $0x0  }
0x68: {  	[sflag:s18] =	ssyncadd.s32 $0xFFFFF800  }
0x69: {  	[spmem:s1] =	stream.indirect.scatter.add.f32 [tilespmem:s23], [sflag:$0x1], $0x10, s19, s22, $0xb8;
	[tilespmem:$0xC600] =	vst v63  }
0x6a: {  	_ =	swait.ge [sflag:s18], $0x800  }
0x6b: {  	[sflag:s18] =	ssyncset.done $0x0  }
0x6c: {  	[sflag:s18] =	ssyncadd.s32 $0xFFFFF800  }
0x6d: {  	[spmem:s1] =	stream.indirect.scatter.add.f32 [tilespmem:s23], [sflag:$0x1], $0x10, s20, s22, $0xb8;
	[tilespmem:$0xC600] =	vst v63  }
0x6e: {  	_ =	swait.ge [sflag:s18], $0x800  }
0x6f: {  	[sflag:s18] =	ssyncset.done $0x0  }
0x70: {  	[sflag:s18] =	ssyncadd.s32 $0xFFFFF800  }
0x71: {  	[spmem:s1] =	stream.indirect.scatter.add.f32 [tilespmem:s23], [sflag:$0x1], $0x10, s21, s22, $0xb8;
	[tilespmem:$0xC600] =	vst v63  }
0x72: {  	_ =	swait.ge [sflag:s18], $0x800  }
0x73: {  	[sflag:s18] =	ssyncset.done $0x0  }
0x74: {  	s16 =	simm.s32 $0xA800;
	[sflag:s18] =	ssyncadd.s32 $0xFFFFF800  }
0x75: {  	[tilespmem:s16], [sflag:$0x1] =	stream.linear.gather [spmem:s11], $0x400, $0x38;
	[tilespmem:$0xC600] =	vst v63  }
0x76: {  	_ =	swait.ge [sflag:s18], $0x400  }
0x77: {  	[sflag:s18] =	ssyncset.done $0x0  }
0x78: {  	s8 =	simm.s32 $0x0;
	[sflag:s18] =	ssyncadd.s32 $0xFFFFFC00  }
0x79: {  	v3 =	vld [tilespmem:s8+$0xA800];
	_ =	sdelay $0x4  }
0x7a: {  	s9 =	simm.s32 $0x10;
	v4 =	vmax.f32 v3, $1.000000000e+00  }
0x7b: {  	v3 =	vld [tilespmem:s9+$0xA800];
	(erf) = vrcp.f32 v4;
	_ =	sdelay $0x3  }
0x7c: {  	s10 =	simm.s32 $0x80;
	s1 =	simm.s32 $0x0  }
.LBB2_8:
0x7d: {  	s16 =	sshra.s32 s10, $0x2;
	p0 =	sne.s32 s10, $0xFC0;
	s10 =	sadd.s32 $0x40, s10;
	v4 =	vmax.f32 v3, $1.000000000e+00  }
.Ltmp3:
0x7e: {  	v3 =	vld [tilespmem:s16+$0xA800];
	(erf) = vrcp.f32 v4;
	(pc) =	sbr.rel @p0 .LBB2_8-.Ltmp3, $3  }
0x7f: {  	_ =	sdelay $0x1  }
0x80: {  	v4 =	vpop (erf)  }
0x81: {  	[tilespmem:s8+$0xAC00] =	vst v4;
	s8 =	smov.u32 s9;
	s9 =	smov.u32 s16  }
0x82: {  	v3 =	vmax.f32 v3, $1.000000000e+00  }
0x83: {  	(erf) = vrcp.f32 v3;
	_ =	sdelay $0x7  }
0x84: {  	v3 =	vpop (erf)  }
0x85: {  	[tilespmem:s8+$0xAC00] =	vst v3;
	v3 =	vpop (erf)  }
0x86: {  	[tilespmem:s9+$0xAC00] =	vst v3  }
.LBB2_10:
0x87: {  	s8 =	sshll.u32 s1, $0x6  }
0x88: {  	s8 =	sadd.s32 s12, s8  }
0x89: {  	s9 =	sadd.s32 s13, s8  }
0x8a: {  	s9 =	sshrl.u32 s9, $0x3  }
0x8b: {  	s10 =	simm.s32 $0x0;
	s9 =	sadd.s32 s6, s9  }
0x8c: {  	[tilespmem:s10], [sflag:$0x1] =	stream.strided.gather [hbm4b:s9+s25], $0x8000, s26, s25, $0x38;
	[tilespmem:$0xC600] =	vst v63  }
0x8d: {  	_ =	swait.ge [sflag:s18], $0x8000  }
0x8e: {  	[sflag:s18] =	ssyncset.done $0x0  }
0x8f: {  	[sflag:s18] =	ssyncadd.s32 $0xFFFF8000  }
0x90: {  	[spmem:s14] =	stream.linear.scatter [tilespmem:s28], [sflag:$0x1], $0x1000, $0x38;
	[tilespmem:$0xC600] =	vst v63  }
0x91: {  	_ =	swait.ge [sflag:s18], $0x1000  }
0x92: {  	[sflag:s18] =	ssyncset.done $0x0  }
0x93: {  	[sflag:s18] =	ssyncadd.s32 $0xFFFFF000  }
0x94: {  	[spmem:s3] =	stream.indirect.scatter.add.f32 [tilespmem:s10], [sflag:$0x1], $0x40, s17, s22, $0xb8;
	[tilespmem:$0xC600] =	vst v63  }
0x95: {  	_ =	swait.ge [sflag:s18], $0x2000  }
0x96: {  	[sflag:s18] =	ssyncset.done $0x0  }
0x97: {  	[sflag:s18] =	ssyncadd.s32 $0xFFFFE000  }
0x98: {  	[spmem:s3] =	stream.indirect.scatter.add.f32 [tilespmem:s29], [sflag:$0x1], $0x40, s19, s22, $0xb8;
	[tilespmem:$0xC600] =	vst v63  }
0x99: {  	_ =	swait.ge [sflag:s18], $0x2000  }
0x9a: {  	[sflag:s18] =	ssyncset.done $0x0  }
0x9b: {  	[sflag:s18] =	ssyncadd.s32 $0xFFFFE000  }
0x9c: {  	[spmem:s3] =	stream.indirect.scatter.add.f32 [tilespmem:s30], [sflag:$0x1], $0x40, s20, s22, $0xb8;
	[tilespmem:$0xC600] =	vst v63  }
0x9d: {  	_ =	swait.ge [sflag:s18], $0x2000  }
0x9e: {  	[sflag:s18] =	ssyncset.done $0x0  }
0x9f: {  	[sflag:s18] =	ssyncadd.s32 $0xFFFFE000  }
0xa0: {  	[spmem:s3] =	stream.indirect.scatter.add.f32 [tilespmem:s31], [sflag:$0x1], $0x40, s21, s22, $0xb8;
	[tilespmem:$0xC600] =	vst v63  }
0xa1: {  	_ =	swait.ge [sflag:s18], $0x2000  }
0xa2: {  	[sflag:s18] =	ssyncset.done $0x0  }
0xa3: {  	[sflag:s18] =	ssyncadd.s32 $0xFFFFE000  }
0xa4: {  	[tilespmem:s0], [sflag:$0x1] =	stream.linear.gather [spmem:s14], $0x1000, $0x38;
	[tilespmem:$0xC600] =	vst v63  }
0xa5: {  	_ =	swait.ge [sflag:s18], $0x1000  }
0xa6: {  	[sflag:s18] =	ssyncset.done $0x0  }
0xa7: {  	s9 =	simm.s32 $0x8020;
	[sflag:s18] =	ssyncadd.s32 $0xFFFFF000  }
0xa8: {  	v3 =	vld [tilespmem:s9+$0xFFFFFFF0]  }
0xa9: {  	v5 =	vld [tilespmem:s9+$0x10]  }
0xaa: {  	s16 =	simm.s32 $0x0;
	v4 =	vld [tilespmem:s9+$0xFFFFFFE0]  }
0xab: {  	v7 =	vld [tilespmem:s16+$0xAC00]  }
0xac: {  	v8 =	vld [tilespmem:s9+$0x0];
	_ =	sdelay $0x3  }
0xad: {  	v4 =	vmul.f32 v4, v7;
	v6 =	vmul.f32 v5, v7  }
0xae: {  	s10 =	simm.s32 $0x40;
	s16 =	simm.s32 $0x8020;
	v5 =	vmul.f32 v3, v7;
	v3 =	vmul.f32 v8, v7  }
.LBB2_11:
0xaf: {  	p0 =	sne.s32 s10, $0xFC0  }
0xb0: {  	[tilespmem:s9+$0x10] =	vst v6;
	s16 =	sadd.s32 $0x40, s16;
	s2 =	smov.u32 s10;
	s10 =	sadd.s32 $0x40, s10  }
0xb1: {  	v7 =	vld [tilespmem:s16+$0xFFFFFFF0];
	[tilespmem:s9+$0xFFFFFFE0] =	vst v4  }
0xb2: {  	v6 =	vld [tilespmem:s16+$0x10];
	[tilespmem:s9+$0xFFFFFFF0] =	vst v5  }
0xb3: {  	s2 =	sshra.s32 s2, $0x2;
	v4 =	vld [tilespmem:s16+$0xFFFFFFE0];
	[tilespmem:s9+$0x0] =	vst v3;
	s9 =	smov.u32 s16  }
0xb4: {  	v3 =	vld [tilespmem:s2+$0xAC00]  }
0xb5: {  	v8 =	vld [tilespmem:s16+$0x0]  }
.Ltmp4:
0xb6: {  	(pc) =	sbr.rel @p0 .LBB2_11-.Ltmp4, $3  }
0xb7: {  	_ =	sdelay $0x1  }
0xb8: {  	v4 =	vmul.f32 v4, v3;
	v6 =	vmul.f32 v6, v3  }
0xb9: {  	v5 =	vmul.f32 v7, v3;
	v3 =	vmul.f32 v8, v3  }
0xba: {  	s2 =	sand.u32 $0xF, s1  }
0xbb: {  	p0 =	seq.s32 s8, $0x0;
	p1 =	sne.s32 s2, $0x0  }
0xbc: {  	p0 =	por !p1, !p0  }
0xbd: {  	s2 =	simm.s32 $0x1;
	p0 =	por !p0, !p0  }
0xbe: {  	s10 =	sshrl.u32 s8, $0xA;
	s2 =	simm.s32 @!p0 $0x0  }
0xbf: {  	s2 =	ssub.s32 s10, s2  }
0xc0: {  	s16 =	sadd.s32 s15, s8;
	s10 =	sshll.u32 s2, $0x10  }
0xc1: {  	[tilespmem:s9+$0x10] =	vst v6;
	s2 =	sshll.u32 s2, $0xA;
	s8 =	sadd.s32 s10, s16  }
0xc2: {  	[tilespmem:s9+$0xFFFFFFE0] =	vst v4;
	s1 =	sadd.s32 $0x1, s1;
	s2 =	ssub.s32 s8, s2  }
0xc3: {  	[tilespmem:s9+$0xFFFFFFF0] =	vst v5;
	p0 =	sne.s32 s1, $0x20;
	s2 =	sshrl.u32 s2, $0x3  }
.Ltmp5:
0xc4: {  	[tilespmem:s9+$0x0] =	vst v3;
	s2 =	sadd.s32 s7, s2;
	(pc) =	sbr.rel @p0 .LBB2_10-.Ltmp5, $4  }
0xc5: {  	[hbm4b:s2+s25] =	stream.strided.scatter [tilespmem:s0], [sflag:$0x1], $0x1000, s5, s25, $0x38;
	[tilespmem:$0xC600] =	vst v63  }
0xc6: {  	_ =	swait.ge [sflag:s18], $0x1000  }
0xc7: {  	[sflag:s18] =	ssyncset.done $0x0  }
0xc8: {  	[sflag:s18] =	ssyncadd.s32 $0xFFFFF000  }
0xc9: {  	s24 =	sadd.s32 $0x1, s24;
	s1 =	rddreg [dreg:$0x8]  }
0xca: {  	p0 =	sne.s32 s24, s1  }
.Ltmp6:
0xcb: {  	_ = 	snop;
	(pc) =	sbr.rel @p0 .LBB2_1-.Ltmp6, $1  }
0xcc: {  	_ =	sdelay $0x3  }
0xcd: {  	_ =	sfence.sel $0x180000  }
0xce: {  	[bflag:$0x0] =	sbarrier.arrive $0xFFFF  }
0xcf: {  	_ =	strace $0x9000004A  }
0xd0: {  	s0 =	stileid.u32;
	[bflag:$0x2] =	sbarrier.arrive $0xFFFF  }
0xd1: {  	p0 =	sne.s32 s0, $0x0;
	s0 =	rddreg [dreg:$0x4]  }
0xd2: {  	s0 =	sadd.s32 @!p0 $0x100000, s0  }
0xd3: {  	[sflag:s0] =	ssyncadd.tile.s32 @!p0 $0x1;
	_ =	shalt  }
.Lfunc_end2:
_tile_overlayer_lowered:
.L_overlay_start_2:
0xd4: {  	(tag) =	ssettag $0x2  }
0xd5: {  	s0 =	rddreg [dreg:$0x0];
	s2 =	stileid.u32  }
0xd6: {  	s1 =	rddreg [dreg:$0x1];
	p0 =	sne.s32 s2, $0x0  }
0xd7: {  	s3 =	rddreg [dreg:$0x2];
	[bflag:$0x3] =	sbarrier.arrive $0xFFFF;
	s2 =	simm.s32 @!p0 $0x1C01  }
0xd8: {  	[timem:s3], [sflag:s2] =	dma.local @!p0 [hbm:s0], s1  }
0xd9: {  	s0 =	simm.s32 @!p0 $0x1  }
0xda: {  	_ =	swait.ge @!p0 [sflag:s0], s1  }
0xdb: {  	s1 =	ssub.s32 @!p0 $0x0, s1;
	[sflag:s0] =	ssyncset.done @!p0 $0x0  }
0xdc: {  	[sflag:s0] =	ssyncadd.s32 @!p0 s1  }
0xdd: {  	[bflag:$0x3] =	sbarrier.arrive $0xFFFF  }
0xde: {  	_ =	shalt  }

// kernel: sparse-core-data-format-call.cloned.1.call-start
scs
called_computation_lowered:
.L_overlay_start_0:
0x0: {  	s2 =	sld [smem:$0x3FD9]  }
0x1: {  	s3 =	sld [smem:$0x3FFE];
	_ =	sdelay $0x1  }
0x2: {  	s1 =	srdreg.scid  }
0x3: {  	s0 =	sand.u32 $0x1, s1  }
0x4: {  	s18 =	sshll.u32 s0, $0xA;
	s2 =	sadd.s32 s3, s2  }
0x5: {  	s2 =	sadd.s32 s2, s18  }
0x6: {  	[smem:$0x3FC6] =	sst s2  }
0x7: {  	_ = 	snop  }
0x8: {  	s2 =	sld [smem:$0x3FC9];
	(tm) =	ssettm $0x1  }
0x9: {  	s19 =	sld [smem:$0x3FFB];
	_ =	sdelay $0x3  }
0xa: {  	_ =	strace s19  }
0xb: {  	s3 =	sld [smem:$0x3FFC];
	_ =	sdelay $0x3  }
0xc: {  	_ =	strace s3  }
0xd: {  	s3 =	sld [smem:$0x3FFD];
	_ =	sdelay $0x3  }
0xe: {  	_ =	strace s3  }
0xf: {  	_ =	strace $0x8FFFFFFF  }
0x10: {  	s20 =	sld [smem:$0x3FDB];
	_ =	sdelay $0x1  }
0x11: {  	s4 =	simm.s32 $_scs_section_size  }
0x12: {  	s5 =	simm.s32 $_size__tile_overlayer_lowered;
	s6 =	simm.s32 $_tile_overlayer_lowered  }
0x13: {  	s23 =	simm.s32 $0x1BFF;
	s22 =	sshll.u32 s6, $0x1;
	s3 =	sadd.s32 s4, s20  }
0x14: {  	s7 =	simm.s32 $0x0;
	s21 =	sshll.u32 s5, $0x1;
	s5 =	sadd.s32 s22, s3  }
0x15: {  	[timem:s7], [sflag:s23] =	dma.local [hbm:s5], s21  }
0x16: {  	_ =	swait.ge [sflag:s23], s21  }
0x17: {  	s4 =	ssub.s32 $0x0, s21;
	[sflag:s23] =	ssyncset.done $0x0  }
0x18: {  	[sflag:s23] =	ssyncadd.s32 s4;
	_ =	sdelay $0x1  }
0x19: {  	s24 =	simm.s32 $0x1B8B  }
0x1a: {  	_ =	swait.ge [sflag:s24], $0x1  }
0x1b: {  	[sflag:s24] =	ssyncset.done $0x0  }
0x1c: {  	s26 =	simm.s32 $0x1B8E;
	s25 =	sld [smem:$0x3FFE];
	[sflag:s24] =	ssyncadd.s32 $0xFFFFFFFF  }
0x1d: {  	s27 =	simm.s32 $execute0_lowered;
	[smem:$0x3FD2] =	sst s26  }
0x1e: {  	s5 =	sshll.u32 s27, $0x1;
	_ =	strace $0x80000046;
	[dreg:$0x1] =	wrdreg $0xFFFFFFFF  }
0x1f: {  	s28 =	simm.s32 $_size_execute0_lowered;
	s3 =	sadd.s32 s3, s5;
	[dreg:$0x0] =	wrdreg $0x0  }
0x20: {  	s5 =	sshll.u32 s28, $0x1;
	[dreg:$0x2] =	wrdreg s3  }
0x21: {  	[dreg:$0x3] =	wrdreg s5  }
0x22: {  	[dreg:$0x4] =	wrdreg $0xC0  }
0x23: {  	_ =	task [dreg:s7], $0x5FFFF  }
0x24: {  	[dreg:$0x1] =	wrdreg $0xFFFFFFFF  }
0x25: {  	[dreg:$0x0] =	wrdreg $0x60  }
0x26: {  	[dreg:$0x2] =	wrdreg s2  }
0x27: {  	[dreg:$0x3] =	wrdreg s25  }
0x28: {  	[dreg:$0x4] =	wrdreg $0x9  }
0x29: {  	_ =	task.clear_ibuf [dreg:s7], $0x5FFFF;
	_ =	strace $0x90000046  }
0x2a: {  	s29 =	simm.s32 $0x9;
	_ =	strace $0x80000048  }
0x2b: {  	_ =	swait.ge [sflag:s29], $0x1  }
0x2c: {  	[sflag:s29] =	ssyncadd.s32 $0xFFFFFFFF  }
0x2d: {  	_ =	strace $0x90000048  }
0x2e: {  	_ =	sfence  }
0x2f: {  	s30 =	sld [smem:$0x0];
	_ =	sdelay $0x2  }
0x30: {  	s31 =	sshll.u32 s1, $0xD;
	s1 =	sshrl.u32 s1, $0x2  }
0x31: {  	s3 =	sand.u32 $0x4000, s31;
	s1 =	sadd.s32 s1, s30  }
0x32: {  	s0 =	sor.u32 s3, s0;
	s1 =	sshll.u32 s1, $0x11  }
0x33: {  	s0 =	sor.u32 s1, s0  }
0x34: {  	s0 =	sadd.s32 $0x8F2B, s0  }
0x35: {  	[sflag:s0] =	ssyncadd.remote.s32 $0x1  }
0x36: {  	_ =	sfence.sel $0xFFFF  }
0x37: {  	[dreg:$0x0] =	wrdreg $0xFFFFFFFF;
	(pc) =	sbr.abs _section_cstart, $3  }
0x38: {  	[dreg:$0x1] =	wrdreg $0xFFFFFFFF  }
0x39: {  	_ =	task.clear_ibuf [dreg:s7], $0x2FFFF;
	_ =	strace $0x9FFFFFFF  }
0x3a: {  	(tm) =	ssettm $0x7FFFFFFF  }
0x3b: {  	_ =	shalt  }
tec
execute0_lowered:
.L_overlay_start_1:
0x0: {  	(tag) =	ssettag $0x1  }
0x1: {  	s2 =	rddreg [dreg:$0x0]  }
0x2: {  	s1 =	rddreg [dreg:$0x1]  }
0x3: {  	s0 =	rddreg [dreg:$0x2];
	_ =	strace $0x80000047;
	s4 =	srdreg.scid  }
0x4: {  	s6 =	simm.s32 $0x2;
	s11 =	simm.s32 $0x0;
	p0 =	por $0x0, $0x0  }
.Ltmp0:
0x5: {  	s7 =	simm.s32 $0x1000;
	s12 =	simm.s32 $0x0;
	(pc) =	sbr.rel .LBB1_1-.Ltmp0, $4  }
0x6: {  	s9 =	simm.s32 $0x0;
	s3 =	sadd.s32 $0x800, s1;
	s5 =	sshll.u32 s4, $0x4  }
0x7: {  	s1 =	stileid.u32;
	s4 =	simm.s32 $0x1;
	s5 =	sand.u32 $0x10, s5  }
0x8: {  	s8 =	simm.s32 $0x0;
	[sflag:s4] =	ssyncpa.u1 $0x0;
	s5 =	sor.u32 s1, s5  }
0x9: {  	[sflag:s6] =	ssyncpa.u1 $0x0;
	s6 =	simm.s32 $0x800;
	s10 =	smov.u32 s5  }
.LBB1_7:
0xa: {  	s13 =	sadd.s32 $0x10, s9  }
0xb: {  	s11 =	sadd.s32 $0x20, s10;
	s15 =	smov.u32 s10;
	p2 =	sgt.s32 s13, $0x1F  }
0xc: {  	p1 =	slt.u32 s8, $0x2;
	s15 =	smov.u32 @p2 s11  }
0xd: {  	s8 =	sadd.s32 $0x1, s8;
	s13 =	simm.s32 @p2 $0x0;
	p2 =	sgt.s32 s15, $0x3FF  }
0xe: {  	s15 =	smov.u32 @p2 s5;
	p2 =	sne.s32 s8, $0x42  }
.Ltmp1:
0xf: {  	_ = 	snop;
	(pc) =	sbr.rel @!p2 .LBB1_8-.Ltmp1, $4  }
0x10: {  	s14 =	simm.s32 @!p1 $0x2  }
0x11: {  	s12 =	smov.u32 s10;
	_ =	swait.ge @!p1 [sflag:s14], $0x4000  }
0x12: {  	p0 =	por !p0, !p0;
	s11 =	smov.u32 s9;
	[sflag:s14] =	ssyncset.done @!p1 $0x0  }
0x13: {  	s9 =	smov.u32 s13;
	[sflag:s14] =	ssyncadd.s32 @!p1 $0xFFFFC000;
	s10 =	smov.u32 s15  }
.LBB1_1:
0x14: {  	p1 =	sgt.u32 s8, $0x3F  }
0x15: {  	s13 =	sxor.u32 @!p1 $0xFFFFFFFF, s8;
	s14 =	sshll.u32 @!p1 s10, $0xC  }
0x16: {  	s15 =	sshll.u32 @!p1 s9, $0x7;
	s13 =	sshll.u32 @!p1 s13, $0xE;
	s14 =	sadd.s32 @!p1 s2, s14  }
0x17: {  	s13 =	sand.u32 @!p1 $0x4000, s13;
	s14 =	sadd.s32 @!p1 s15, s14;
	s15 =	simm.s32 @!p1 $0x0  }
0x18: {  	[tilespmem:s13], [sflag:$0x1] =	stream.linear.gather @!p1 [hbm4b:s14+s15], $0x4000, $0x38;
	[tilespmem:$0x10000] =	vst v63  }
0x19: {  	p1 =	seq.s32 s8, $0x0  }
0x1a: {  	p2 =	seq.s32 @!p1 s8, $0x41  }
0x1b: {  	p1 =	por p1, p2  }
.Ltmp2:
0x1c: {  	_ = 	snop;
	(pc) =	sbr.rel @p1 .LBB1_7-.Ltmp2, $1  }
0x1d: {  	_ =	sdelay $0x3  }
0x1e: {  	s13 =	simm.s32 $0x1;
	_ =	swait.ge [sflag:s4], $0x4000;
	s16 =	sshll.u32 s8, $0xE  }
0x1f: {  	s13 =	simm.s32 @!p0 $0x0;
	[sflag:s4] =	ssyncset.done $0x0;
	s31 =	sand.u32 $0x4000, s16  }
0x20: {  	s16 =	simm.s32 $0x0;
	s14 =	sshll.u32 s13, $0xE;
	[sflag:s4] =	ssyncadd.s32 $0xFFFFC000  }
0x21: {  	s13 =	sor.u32 $0x8040, s14;
	s15 =	sor.u32 $0x40, s14;
	s14 =	sor.u32 $0x8000, s31  }
.LBB1_3:
0x22: {  	v0 =	vmov s15;
	_ =	sdelay $0x3  }
0x23: {  	s18 =	simm.s32 $0x0  }
0x24: {  	v6 =	vld.idx.msk [tilespmem:v0+s18+$0x30 ss:$0x1], $0xffff  }
0x25: {  	v7 =	vld.idx.msk [tilespmem:v0+s18+$0xFFFFFFC0 ss:$0x1], $0xffff  }
0x26: {  	v5 =	vld.idx.msk [tilespmem:v0+s18+$0xFFFFFFD0 ss:$0x1], $0xffff  }
0x27: {  	v4 =	vld.idx.msk [tilespmem:v0+s18+$0xFFFFFFE0 ss:$0x1], $0xffff  }
0x28: {  	v3 =	vld.idx.msk [tilespmem:v0+s18+$0xFFFFFFF0 ss:$0x1], $0xffff  }
0x29: {  	v1 =	vld.idx.msk [tilespmem:v0+s18+$0x0 ss:$0x1], $0xffff  }
0x2a: {  	v2 =	vld.idx.msk [tilespmem:v0+s18+$0x10 ss:$0x1], $0xffff;
	[tilespmem:s13+$0x30] =	vst v6  }
0x2b: {  	s17 =	simm.s32 $0x80;
	s19 =	simm.s32 $0x400;
	[tilespmem:s13+$0xFFFFFFC0] =	vst v7;
	v6 =	vld.idx.msk [tilespmem:v0+s18+$0x20 ss:$0x1], $0xffff;
	s18 =	smov.u32 s13  }
.LBB1_4:
0x2c: {  	p1 =	sne.s32 s19, $0xE00;
	v7 =	vld.idx.msk [tilespmem:v0+s17+$0x30 ss:$0x1], $0xffff;
	[tilespmem:s18+$0xFFFFFFD0] =	vst v5  }
0x2d: {  	v8 =	vld.idx.msk [tilespmem:v0+s17+$0xFFFFFFC0 ss:$0x1], $0xffff;
	[tilespmem:s18+$0xFFFFFFE0] =	vst v4  }
0x2e: {  	v5 =	vld.idx.msk [tilespmem:v0+s17+$0xFFFFFFD0 ss:$0x1], $0xffff;
	[tilespmem:s18+$0xFFFFFFF0] =	vst v3  }
.Ltmp3:
0x2f: {  	v4 =	vld.idx.msk [tilespmem:v0+s17+$0xFFFFFFE0 ss:$0x1], $0xffff;
	[tilespmem:s18+$0x0] =	vst v1;
	(pc) =	sbr.rel @p1 .LBB1_4-.Ltmp3, $4  }
0x30: {  	v3 =	vld.idx.msk [tilespmem:v0+s17+$0xFFFFFFF0 ss:$0x1], $0xffff;
	[tilespmem:s18+$0x10] =	vst v2  }
0x31: {  	v1 =	vld.idx.msk [tilespmem:v0+s17+$0x0 ss:$0x1], $0xffff;
	[tilespmem:s18+$0x20] =	vst v6;
	s18 =	sadd.s32 $0x800, s18  }
0x32: {  	v2 =	vld.idx.msk [tilespmem:v0+s17+$0x10 ss:$0x1], $0xffff;
	[tilespmem:s18+$0x30] =	vst v7  }
0x33: {  	[tilespmem:s18+$0xFFFFFFC0] =	vst v8;
	v6 =	vld.idx.msk [tilespmem:v0+s17+$0x20 ss:$0x1], $0xffff;
	s17 =	sshra.s32 s19, $0x2;
	s19 =	sadd.s32 $0x200, s19  }
0x34: {  	_ =	sdelay $0x2  }
0x35: {  	[tilespmem:s18+$0xFFFFFFD0] =	vst v5  }
0x36: {  	v56 =	vld.idx.msk [tilespmem:v0+s17+$0x30 ss:$0x1], $0xffff;
	[tilespmem:s18+$0xFFFFFFE0] =	vst v4  }
0x37: {  	v57 =	vld.idx.msk [tilespmem:v0+s17+$0xFFFFFFC0 ss:$0x1], $0xffff;
	[tilespmem:s18+$0xFFFFFFF0] =	vst v3  }
0x38: {  	v58 =	vld.idx.msk [tilespmem:v0+s17+$0xFFFFFFD0 ss:$0x1], $0xffff;
	[tilespmem:s18+$0x0] =	vst v1  }
0x39: {  	v59 =	vld.idx.msk [tilespmem:v0+s17+$0xFFFFFFE0 ss:$0x1], $0xffff;
	[tilespmem:s18+$0x10] =	vst v2  }
0x3a: {  	v60 =	vld.idx.msk [tilespmem:v0+s17+$0xFFFFFFF0 ss:$0x1], $0xffff;
	s31 =	sadd.s32 $0x800, s18;
	[tilespmem:s18+$0x20] =	vst v6  }
0x3b: {  	v61 =	vld.idx.msk [tilespmem:v0+s17+$0x0 ss:$0x1], $0xffff;
	[tilespmem:s31+$0x30] =	vst v56  }
0x3c: {  	v62 =	vld.idx.msk [tilespmem:v0+s17+$0x10 ss:$0x1], $0xffff;
	s16 =	sadd.s32 $0x1, s16;
	[tilespmem:s31+$0xFFFFFFC0] =	vst v57  }
0x3d: {  	v63 =	vld.idx.msk [tilespmem:v0+s17+$0x20 ss:$0x1], $0xffff;
	p1 =	sne.s32 s16, $0x10;
	[tilespmem:s31+$0xFFFFFFD0] =	vst v58  }
.Ltmp4:
0x3e: {  	[tilespmem:s31+$0xFFFFFFE0] =	vst v59;
	(pc) =	sbr.rel @p1 .LBB1_3-.Ltmp4, $4  }
0x3f: {  	[tilespmem:s31+$0xFFFFFFF0] =	vst v60  }
0x40: {  	[tilespmem:s31+$0x0] =	vst v61  }
0x41: {  	[tilespmem:s31+$0x10] =	vst v62  }
0x42: {  	s13 =	sadd.s32 $0x80, s13;
	s15 =	sadd.s32 $0x400, s15;
	[tilespmem:s31+$0x20] =	vst v63  }
.Ltmp5:
0x43: {  	(pc) =	sbr.rel .LBB1_7-.Ltmp5, $4  }
0x44: {  	s12 =	sshll.u32 s12, $0xC;
	s11 =	sshll.u32 s11, $0x4  }
0x45: {  	s11 =	sand.u32 $0x1F0, s11;
	s12 =	sadd.s32 s3, s12  }
0x46: {  	s11 =	sadd.s32 s11, s12  }
0x47: {  	[hbm4b:s11+s6] =	stream.strided.scatter [tilespmem:s14], [sflag:$0x2], $0x4000, s7, s6, $0x38;
	[tilespmem:$0x10000] =	vst v63  }
.LBB1_8:
0x48: {  	_ =	sfence.sel $0x180000  }
0x49: {  	s2 =	simm.s32 $0x1;
	[bflag:$0x0] =	sbarrier.arrive $0xFFFF  }
0x4a: {  	s31 =	simm.s32 $0x2;
	[sflag:s2] =	ssyncpa.u1 $0x1  }
0x4b: {  	[sflag:s31] =	ssyncpa.u1 $0x1  }
0x4c: {  	p0 =	sne.s32 s1, $0x0;
	_ =	strace $0x90000047  }
0x4d: {  	s0 =	sadd.s32 @!p0 $0x100000, s0;
	[bflag:$0x2] =	sbarrier.arrive $0xFFFF  }
0x4e: {  	[sflag:s0] =	ssyncadd.tile.s32 @!p0 $0x1;
	_ =	shalt  }
.Lfunc_end1:
_tile_overlayer_lowered:
.L_overlay_start_2:
0x4f: {  	(tag) =	ssettag $0x2  }
0x50: {  	s0 =	rddreg [dreg:$0x0];
	s2 =	stileid.u32  }
0x51: {  	s1 =	rddreg [dreg:$0x1];
	p0 =	sne.s32 s2, $0x0  }
0x52: {  	s3 =	rddreg [dreg:$0x2];
	[bflag:$0x3] =	sbarrier.arrive $0xFFFF;
	s2 =	simm.s32 @!p0 $0x1C01  }
0x53: {  	[timem:s3], [sflag:s2] =	dma.local @!p0 [hbm:s0], s1  }
0x54: {  	s0 =	simm.s32 @!p0 $0x1  }
0x55: {  	_ =	swait.ge @!p0 [sflag:s0], s1  }
0x56: {  	s1 =	ssub.s32 @!p0 $0x0, s1;
	[sflag:s0] =	ssyncset.done @!p0 $0x0  }
0x57: {  	[sflag:s0] =	ssyncadd.s32 @!p0 s1  }
0x58: {  	[bflag:$0x3] =	sbarrier.arrive $0xFFFF  }
0x59: {  	_ =	shalt  }

</sc_bundles>
